<compile_context>
chip_gen: v7x
topology: tpu7x:2x2x1
jax: 0.10.2.dev20260603
libtpu: 0.0.44.dev20260713+nightly
codegen_flags: <defaults>
</compile_context>

<pallas_src>
import functools
import jax
import jax.numpy as jnp
from jax import lax
from jax.experimental import pallas as pl
from jax.experimental.pallas import tpu as pltpu
from jax.experimental.pallas import tpu_sc as plsc

_MARGIN = 0.2
_B = 4096
_D = 1024
_NCLS = 128
_BS = 1024
_NBLK = _B // _BS


def _lane_cumsum(x):
    n = x.shape[1]
    k = 1
    while k < n:
        shifted = jnp.concatenate(
            [jnp.zeros((x.shape[0], k), x.dtype), x[:, : n - k]], axis=1)
        x = x + shifted
        k *= 2
    return x


def _gat(vals, onehot):
    return jnp.sum(jnp.where(onehot, vals, 0), axis=0, keepdims=True)


def _mining_idx_body(c1_ref, c2_ref, f1a_ref, f1b_ref, f2a_ref, f2b_ref):
    c1 = c1_ref[...]
    c2 = c2_ref[...]
    cid = lax.broadcasted_iota(jnp.int32, (_NCLS, _B), 0)
    pos = lax.broadcasted_iota(jnp.int32, (_NCLS, _B), 1)
    eq1 = c1 == cid
    eq2 = c2 == cid
    f1a = jnp.min(jnp.where(eq1, pos, _B), axis=1, keepdims=True)
    f1b = jnp.min(jnp.where(eq1 & (pos != f1a), pos, _B), axis=1, keepdims=True)
    f2a = jnp.min(jnp.where(eq2, pos, _B), axis=1, keepdims=True)
    f2b = jnp.min(jnp.where(eq2 & (pos != f2a), pos, _B), axis=1, keepdims=True)
    f1a_ref[...] = jnp.minimum(f1a, _B - 1)
    f1b_ref[...] = jnp.minimum(f1b, _B - 1)
    f2a_ref[...] = jnp.minimum(f2a, _B - 1)
    f2b_ref[...] = jnp.minimum(f2b, _B - 1)


def _mining_idx(c1, c2):
    col = jax.ShapeDtypeStruct((_NCLS, 1), jnp.int32)
    return pl.pallas_call(
        _mining_idx_body,
        out_shape=[col] * 4,
    )(c1, c2)


def _mining_body(c1_ref, c2_ref,
                 j3_ref, t3_ref, sel3_ref, j4_ref, t4_ref, sel4_ref):
    c1 = c1_ref[...]
    c2 = c2_ref[...]
    cid = lax.broadcasted_iota(jnp.int32, (_NCLS, _B), 0)
    pos = lax.broadcasted_iota(jnp.int32, (_NCLS, _B), 1)
    eq1 = c1 == cid
    eq2 = c2 == cid
    h1 = jnp.sum(eq1.astype(jnp.int32), axis=1, keepdims=True)
    h2 = jnp.sum(eq2.astype(jnp.int32), axis=1, keepdims=True)
    f1a = jnp.min(jnp.where(eq1, pos, _B), axis=1, keepdims=True)
    f1b = jnp.min(jnp.where(eq1 & (pos != f1a), pos, _B), axis=1, keepdims=True)
    f2a = jnp.min(jnp.where(eq2, pos, _B), axis=1, keepdims=True)
    f2b = jnp.min(jnp.where(eq2 & (pos != f2a), pos, _B), axis=1, keepdims=True)
    cum1 = _lane_cumsum(jnp.where(eq1, 0, 1))
    cum2 = _lane_cumsum(jnp.where(eq2, 0, 1))
    rpos = lax.broadcasted_iota(jnp.int32, (1, _B), 1)

    k3 = _B - jnp.max(_gat(h1, eq2)) + 1
    t3class = jnp.min(jnp.where(cum1 == k3, pos, _B), axis=1, keepdims=True)
    t3_ref[...] = _gat(t3class, eq2)
    f1a_at = _gat(f1a, eq2)
    sel3 = f1a_at == rpos
    sel3_ref[...] = sel3.astype(jnp.int32)
    j3_ref[...] = jnp.where(sel3, _gat(f1b, eq2), f1a_at)

    k4 = _B - jnp.max(_gat(h2, eq1)) + 1
    t4class = jnp.min(jnp.where(cum2 == k4, pos, _B), axis=1, keepdims=True)
    t4_ref[...] = _gat(t4class, eq1)
    f2a_at = _gat(f2a, eq1)
    sel4 = f2a_at == rpos
    sel4_ref[...] = sel4.astype(jnp.int32)
    j4_ref[...] = jnp.where(sel4, _gat(f2b, eq1), f2a_at)


def _mining(c1, c2):
    row = jax.ShapeDtypeStruct((1, _B), jnp.int32)
    return pl.pallas_call(
        _mining_body,
        out_shape=[row] * 6,
    )(c1, c2)


_SC_CORES = 2
_SC_SUBCORES = 16
_NW = _SC_CORES * _SC_SUBCORES
_CH = _NCLS // 8


_sc_gather_built = None


def _build_sc_gather():
    @functools.partial(
        pl.kernel,
        mesh=plsc.VectorSubcoreMesh(core_axis_name="c", subcore_axis_name="s",
                                    num_cores=_SC_CORES,
                                    num_subcores=_SC_SUBCORES),
        out_type=[jax.ShapeDtypeStruct((_NCLS, _D), jnp.float32)] * 4,
        scratch_types=[pltpu.VMEM((_CH,), jnp.int32),
                       pltpu.VMEM((_CH, _D), jnp.float32),
                       pltpu.SemaphoreType.DMA],
    )
    def sc_gather(x2_hbm, x1_hbm, f1a_hbm, f1b_hbm, f2a_hbm, f2b_hbm,
                  u1_hbm, u2_hbm, v1_hbm, v2_hbm, idx_v, rows_v, sem):
        wid = lax.axis_index("s") * _SC_CORES + lax.axis_index("c")
        tid = wid // 8
        off = (wid % 8) * _CH
        jobs = ((x2_hbm, f1a_hbm, u1_hbm), (x2_hbm, f1b_hbm, u2_hbm),
                (x1_hbm, f2a_hbm, v1_hbm), (x1_hbm, f2b_hbm, v2_hbm))
        for t, (table, idx_hbm, out) in enumerate(jobs):
            @pl.when(tid == t)
            def _(table=table, idx_hbm=idx_hbm, out=out):
                pltpu.sync_copy(idx_hbm.at[pl.ds(off, _CH)], idx_v)
                pltpu.async_copy(table.at[idx_v], rows_v, sem).wait()
                pltpu.sync_copy(rows_v, out.at[pl.ds(off, _CH)])

    return sc_gather


def _sc_gather(*args):
    global _sc_gather_built
    if _sc_gather_built is None:
        _sc_gather_built = _build_sc_gather()
    return _sc_gather_built(*args)


def _prep_body(x1_ref, x2_ref, u1_ref, u2_ref, v1_ref, v2_ref,
               j3_ref, sel3_ref, cls2_ref, j4_ref, sel4_ref, cls1_ref,
               diag_ref, pos3_ref, pos4_ref):
    x1 = x1_ref[...]
    x2 = x2_ref[...]
    diag_ref[0, 0, :] = 1.0 - jnp.sum(x1 * x2, axis=1)
    dims = (((1,), (1,)), ((), ()))
    ohc = lax.broadcasted_iota(jnp.int32, (_BS, _NCLS), 1)

    pa = lax.dot_general(x1, u1_ref[...], dims,
                         preferred_element_type=jnp.float32)
    pb = lax.dot_general(x1, u2_ref[...], dims,
                         preferred_element_type=jnp.float32)
    oh2 = cls2_ref[0, 0, :][:, None] == ohc
    p = jnp.where(sel3_ref[0, 0, :] == 1,
                  jnp.sum(jnp.where(oh2, pb, 0.0), axis=1),
                  jnp.sum(jnp.where(oh2, pa, 0.0), axis=1))
    pos3_ref[0, 0, :] = jnp.where(j3_ref[0, 0, :] < _B, 1.0 - p, 0.0)

    qa = lax.dot_general(x2, v1_ref[...], dims,
                         preferred_element_type=jnp.float32)
    qb = lax.dot_general(x2, v2_ref[...], dims,
                         preferred_element_type=jnp.float32)
    oh1 = cls1_ref[0, 0, :][:, None] == ohc
    q = jnp.where(sel4_ref[0, 0, :] == 1,
                  jnp.sum(jnp.where(oh1, qb, 0.0), axis=1),
                  jnp.sum(jnp.where(oh1, qa, 0.0), axis=1))
    pos4_ref[0, 0, :] = jnp.where(j4_ref[0, 0, :] < _B, 1.0 - q, 0.0)


def _prep(x1, x2, u1, u2, v1, v2, j3, sel3, cls2, j4, sel4, cls1):
    mat = pl.BlockSpec((_BS, _D), lambda i: (i, 0))
    rep = pl.BlockSpec((_NCLS, _D), lambda i: (0, 0))
    vec = pl.BlockSpec((1, 1, _BS), lambda i: (i, 0, 0))
    out = jax.ShapeDtypeStruct((_NBLK, 1, _BS), jnp.float32)
    return pl.pallas_call(
        _prep_body,
        grid=(_NBLK,),
        in_specs=[mat, mat, rep, rep, rep, rep, vec, vec, vec, vec, vec, vec],
        out_specs=[vec, vec, vec],
        out_shape=[out] * 3,
    )(x1, x2, u1, u2, v1, v2, j3, sel3, cls2, j4, sel4, cls1)


def _main_body(x1_ref, x2_ref, diagr_ref, diagc_ref, pos3_ref, pos4_ref,
               t3_ref, t4_ref, cls2_ref, cls1_ref,
               s1_ref, n1_ref, s2_ref, n2_ref,
               s3_ref, n3_ref, s4_ref, n4_ref):
    ri = pl.program_id(0)
    ci = pl.program_id(1)
    g2 = (1.0 - _MARGIN) - lax.dot_general(
        x1_ref[...], x2_ref[...], (((1,), (1,)), ((), ())),
        preferred_element_type=jnp.float32)

    io = lax.broadcasted_iota(jnp.int32, (_BS, _BS), 0)
    jo = lax.broadcasted_iota(jnp.int32, (_BS, _BS), 1)

    def term(keep, v):
        w = jnp.where(keep, v, 0.0) if keep is not None else v
        s = jnp.sum(w)
        n = jnp.sum(jnp.where(w > 0, 1.0, 0.0))
        return s, n

    v1 = jnp.maximum(diagr_ref[0, 0, :][:, None] - g2, 0.0)
    s1, n1 = term(None, v1)
    v2 = jnp.maximum(diagc_ref[0, 0, :][None, :] - g2, 0.0)
    s2, n2 = term(None, v2)
    anti = cls1_ref[0, 0, :][None, :] != cls2_ref[0, 0, :][:, None]
    th3 = t3_ref[0, 0, :] - ci * _BS
    th4 = t4_ref[0, 0, :] - ri * _BS
    kept3 = anti & (jo < th3[:, None])
    v3 = jnp.maximum(pos3_ref[0, 0, :][:, None] - g2, 0.0)
    s3, n3 = term(kept3, v3)
    kept4 = anti & (io < th4[None, :])
    v4 = jnp.maximum(pos4_ref[0, 0, :][None, :] - g2, 0.0)
    s4, n4 = term(kept4, v4)

    first = (ri == 0) & (ci == 0)
    for ref, val in ((s1_ref, s1), (n1_ref, n1), (s2_ref, s2), (n2_ref, n2),
                     (s3_ref, s3), (n3_ref, n3), (s4_ref, s4), (n4_ref, n4)):
        @pl.when(first)
        def _(ref=ref):
            ref[0, 0] = jnp.zeros((), jnp.float32)
        ref[0, 0] += val


def _main(x1, x2, diag, pos3, pos4, t3, t4, cls2, cls1):
    rmat = pl.BlockSpec((_BS, _D), lambda r, c: (r, 0))
    cmat = pl.BlockSpec((_BS, _D), lambda r, c: (c, 0))
    rvec = pl.BlockSpec((1, 1, _BS), lambda r, c: (r, 0, 0))
    cvec = pl.BlockSpec((1, 1, _BS), lambda r, c: (c, 0, 0))
    acc = pl.BlockSpec(memory_space=pltpu.SMEM)
    out = jax.ShapeDtypeStruct((1, 1), jnp.float32)
    return pl.pallas_call(
        _main_body,
        grid=(_NBLK, _NBLK),
        in_specs=[rmat, cmat, rvec, cvec, rvec, cvec, rvec, cvec, rvec, cvec],
        out_specs=[acc] * 8,
        out_shape=[out] * 8,
        compiler_params=pltpu.CompilerParams(
            dimension_semantics=("arbitrary", "arbitrary")),
    )(x1, x2, diag, diag, pos3, pos4, t3, t4, cls2, cls1)


def kernel(input1, input2, class1, class2):
    c1 = class1.astype(jnp.int32).reshape(1, _B)
    c2 = class2.astype(jnp.int32).reshape(1, _B)
    f1a, f1b, f2a, f2b = _mining_idx(c1, c2)
    u1, u2, v1, v2 = _sc_gather(input2, input1,
                                f1a.reshape(_NCLS), f1b.reshape(_NCLS),
                                f2a.reshape(_NCLS), f2b.reshape(_NCLS))
    j3, t3, sel3, j4, t4, sel4 = _mining(c1, c2)
    blk = (_NBLK, 1, _BS)
    diag, pos3, pos4 = _prep(input1, input2, u1, u2, v1, v2,
                             j3.reshape(blk), sel3.reshape(blk),
                             c2.reshape(blk),
                             j4.reshape(blk), sel4.reshape(blk),
                             c1.reshape(blk))
    s1, n1, s2, n2, s3, n3, s4, n4 = _main(
        input1, input2, diag, pos3, pos4,
        t3.reshape(blk), t4.reshape(blk), c2.reshape(blk), c1.reshape(blk))
    corr = _MARGIN * _B
    loss = ((s1[0, 0] - corr) / (n1[0, 0] - _B)
            + (s2[0, 0] - corr) / (n2[0, 0] - _B)
            + s3[0, 0] / n3[0, 0] + s4[0, 0] / n4[0, 0])
    return loss.reshape(1)

# --- scband reference (transcript-rebuilt; emitter-appended) ---
"""Pipeline reference for scband-triplet-31653908971596 (READ-ONLY COPY).

The authoritative reference and input builder live on the scoring server;
editing this copy changes nothing except your own understanding.
"""

import jax, jax.numpy as jnp
import numpy as np

MARGIN = 0.2
SEM_WEIGHT = 1.0
COS_WEIGHT = 1.0
NB_SAMPLES = 9999


def _calculate_cost(cost):
    ans = jnp.sort(cost, axis=1)[:, ::-1]
    return ans[:, :NB_SAMPLES]


def _add_cost(cost, weight):
    invalid = (cost == 0).astype(jnp.float32).sum()
    valid = cost.size - invalid
    return cost.sum() * weight / valid


def _semantic_multimodal(distances, class1, class2, erase_diagonal=True):
    n1 = class1.shape[0]
    n2 = class2.shape[0]
    class1_matrix = jnp.tile(class1[None, :], (n1, 1))
    class2_matrix = jnp.tile(class2[None, :], (n2, 1)).T
    matrix_mask = (class1_matrix != 0) & (class2_matrix != 0)
    same_class = (class1_matrix == class2_matrix)
    anti_class = ~same_class
    if erase_diagonal:
        idx = jnp.arange(n1)
        same_class = same_class.at[idx, idx].set(False)
    same_class = jnp.where(matrix_mask, same_class, False)
    anti_class = jnp.where(matrix_mask, anti_class, False)
    mdistances = jnp.where(matrix_mask, distances, 0.0)
    same_class = same_class & (jnp.cumsum(same_class.astype(jnp.int32), axis=1) <= 1)
    pos_samples = (mdistances * same_class.astype(mdistances.dtype)).sum(axis=1)
    min_neg = anti_class.astype(jnp.int32).sum(1).min()
    anti_class = anti_class & (jnp.cumsum(anti_class.astype(jnp.int32), axis=1) <= min_neg)
    cost = pos_samples[:, None] - mdistances + MARGIN
    cost = jnp.where(cost < 0, 0.0, cost)
    return jnp.where(anti_class, cost, 0.0)


def setup_inputs(seed: int = 0) -> dict:
    key = jax.random.key(seed)
    k1, k2, k3, k4 = jax.random.split(key, 4)
    B, D = 4096, 1024
    input1 = jax.random.normal(k1, (B, D), dtype=jnp.float32)
    input1 = input1 / jnp.linalg.norm(input1, axis=1, keepdims=True)
    input2 = jax.random.normal(k2, (B, D), dtype=jnp.float32)
    input2 = input2 / jnp.linalg.norm(input2, axis=1, keepdims=True)
    # class ids in [1, 100]; 0 is background, avoided so valid_input1/2 stay
    # aligned (the torch code requires equal counts of nonzero classes).
    class1 = jax.random.randint(k3, (B,), 1, 101, dtype=jnp.int32)
    class2 = jax.random.randint(k4, (B,), 1, 101, dtype=jnp.int32)
    return {"input1": input1, "input2": input2, "class1": class1, "class2": class2}


def reference(input1, input2, class1, class2):
    distances = 1.0 - input1 @ input2.T
    n = distances.shape[0]
    idx = jnp.arange(n)
    diag = jnp.diagonal(distances)
    cost = diag[:, None] - distances + MARGIN
    cost = jnp.where(cost < 0, 0.0, cost)
    cost = cost.at[idx, idx].set(0.0)
    loss = _add_cost(_calculate_cost(cost), COS_WEIGHT)
    cost = diag[None, :] - distances + MARGIN
    cost = jnp.where(cost < 0, 0.0, cost)
    cost = cost.at[idx, idx].set(0.0)
    loss = loss + _add_cost(_calculate_cost(cost.T), COS_WEIGHT)
    valid1 = class1 != 0
    valid2 = class2 != 0
    s1 = jnp.where(valid1[:, None], input1, 0.0)
    sc1 = jnp.where(valid1, class1, 0)
    s2 = jnp.where(valid2[:, None], input2, 0.0)
    sc2 = jnp.where(valid2, class2, 0)
    sd = 1.0 - s1 @ s2.T
    loss = loss + _add_cost(_calculate_cost(_semantic_multimodal(sd, sc1, sc2)), SEM_WEIGHT)
    loss = loss + _add_cost(_calculate_cost(_semantic_multimodal(sd.T, sc2, sc1)), SEM_WEIGHT)
    return loss.reshape(1)

if __name__ == "__main__":
    import jax
    _d = setup_inputs()
    print(jax.jit(kernel)(*tuple(_d.values())))

</pallas_src>

<mosaic_0001>
#map = affine_map<(d0, d1) -> (0, 0)>
#map1 = affine_map<(d0, d1) -> (0)>
module attributes {stable_mosaic.version = 14 : i64} {
  func.func @sc_gather(%arg0: i32, %arg1: i32, %arg2: memref<4096x1024xf32, #tpu.memory_space<hbm>>, %arg3: memref<4096x1024xf32, #tpu.memory_space<hbm>>, %arg4: memref<128xi32, #tpu.memory_space<hbm>>, %arg5: memref<128xi32, #tpu.memory_space<hbm>>, %arg6: memref<128xi32, #tpu.memory_space<hbm>>, %arg7: memref<128xi32, #tpu.memory_space<hbm>>, %arg8: memref<128x1024xf32, #tpu.memory_space<hbm>>, %arg9: memref<128x1024xf32, #tpu.memory_space<hbm>>, %arg10: memref<128x1024xf32, #tpu.memory_space<hbm>>, %arg11: memref<128x1024xf32, #tpu.memory_space<hbm>>, %arg12: memref<16xi32, #tpu.memory_space<vmem>>, %arg13: memref<16x1024xf32, #tpu.memory_space<vmem>>, %arg14: memref<!tpu.dma_semaphore, #tpu.memory_space<semaphore_mem>>) attributes {dimension_semantics = [#tpu.dimension_semantics<core_parallel>, #tpu.dimension_semantics<subcore_parallel>], iteration_bounds = array<i64: 2, 16>, scalar_prefetch = 0 : i64, scratch_operands = 3 : i64, tpu.core_type = #tpu.core_type<sc_vector_subcore>, window_params = [{transform_indices = #map}, {transform_indices = #map}, {transform_indices = #map1}, {transform_indices = #map1}, {transform_indices = #map1}, {transform_indices = #map1}, {transform_indices = #map}, {transform_indices = #map}, {transform_indices = #map}, {transform_indices = #map}]} {
    %mul3A = arith.constant 2 : i32
    %mul3A_0 = arith.muli %arg1, %mul3A : i32
    %add3A = arith.addi %mul3A_0, %arg0 : i32
    %jit3A = arith.constant 8 : i32
    %div3A = arith.divsi %add3A, %jit3A : i32
    %sign3A = arith.constant 0 : i32
    %sign3A_1 = arith.cmpi sgt, %add3A, %sign3A : i32
    %sign3A_2 = arith.extui %sign3A_1 : i1 to i32
    %sign3A_3 = arith.constant 0 : i32
    %sign3A_4 = arith.cmpi slt, %add3A, %sign3A_3 : i32
    %sign3A_5 = arith.extui %sign3A_4 : i1 to i32
    %sign3A_6 = arith.subi %sign3A_2, %sign3A_5 : i32
    %sign3A_7 = arith.constant 0 : i32
    %sign3A_8 = arith.cmpi sgt, %jit3A, %sign3A_7 : i32
    %sign3A_9 = arith.extui %sign3A_8 : i1 to i32
    %sign3A_10 = arith.constant 0 : i32
    %sign3A_11 = arith.cmpi slt, %jit3A, %sign3A_10 : i32
    %sign3A_12 = arith.extui %sign3A_11 : i1 to i32
    %sign3A_13 = arith.subi %sign3A_9, %sign3A_12 : i32
    %ne3A = arith.cmpi ne, %sign3A_6, %sign3A_13 : i32
    %rem3A = arith.remsi %add3A, %jit3A : i32
    %ne3A_14 = arith.constant 0 : i32
    %ne3A_15 = arith.cmpi ne, %rem3A, %ne3A_14 : i32
    %and3A = arith.andi %ne3A, %ne3A_15 : i1
    %sub3A = arith.constant 1 : i32
    %sub3A_16 = arith.subi %div3A, %sub3A : i32
    %select_n3A = arith.select %and3A, %sub3A_16, %div3A : i32
    %jit3A_17 = arith.constant 8 : i32
    %eq3A = arith.constant 0 : i32
    %eq3A_18 = arith.cmpi eq, %jit3A_17, %eq3A : i32
    %jit3A_19 = arith.constant 1 : i32
    %select_n3A_20 = arith.select %eq3A_18, %jit3A_19, %jit3A_17 : i32
    %rem3A_21 = arith.remsi %add3A, %select_n3A_20 : i32
    %ne3A_22 = arith.constant 0 : i32
    %ne3A_23 = arith.cmpi ne, %rem3A_21, %ne3A_22 : i32
    %lt3A = arith.constant 0 : i32
    %lt3A_24 = arith.cmpi slt, %rem3A_21, %lt3A : i32
    %lt3A_25 = arith.constant 0 : i32
    %lt3A_26 = arith.cmpi slt, %select_n3A_20, %lt3A_25 : i32
    %ne3A_27 = arith.xori %lt3A_24, %lt3A_26 : i1
    %and3A_28 = arith.andi %ne3A_27, %ne3A_23 : i1
    %add3A_29 = arith.addi %rem3A_21, %select_n3A_20 : i32
    %select_n3A_30 = arith.select %and3A_28, %add3A_29, %rem3A_21 : i32
    %mul3A_31 = arith.constant 16 : i32
    %mul3A_32 = arith.muli %select_n3A_30, %mul3A_31 : i32
    %eq3A_33 = arith.constant 0 : i32
    %eq3A_34 = arith.cmpi eq, %select_n3A, %eq3A_33 : i32
    %convert_element_type3A = arith.extui %eq3A_34 : i1 to i32
    %cond3A = arith.constant 0 : i32
    %cond3A_35 = arith.cmpi ne, %convert_element_type3A, %cond3A : i32
    scf.if %cond3A_35 {
      "tpu.region"() ({
        %run_scoped3A = tpu.sem_alloc : memref<!tpu.dma_semaphore, #tpu.memory_space<semaphore_mem>>
        %dma_start3A_55 = tpu.memref_slice %arg4[%mul3A_32] : memref<128xi32, #tpu.memory_space<hbm>> -> memref<16xi32, #tpu.memory_space<hbm>>
        %dma_start3A_56 = tpu.memref_slice %arg4[%mul3A_32] : memref<128xi32, #tpu.memory_space<hbm>> -> memref<16xi32, #tpu.memory_space<hbm>>
        tpu.enqueue_dma source(%dma_start3A_56 : memref<16xi32, #tpu.memory_space<hbm>>) target(%arg12 : memref<16xi32, #tpu.memory_space<vmem>>) target_semaphore(%run_scoped3A : memref<!tpu.dma_semaphore, #tpu.memory_space<semaphore_mem>>)
        %dma_wait3A_57 = tpu.memref_slice %arg4[%mul3A_32] : memref<128xi32, #tpu.memory_space<hbm>> -> memref<16xi32, #tpu.memory_space<hbm>>
        %dma_wait3A_58 = tpu.memref_slice %arg4[%mul3A_32] : memref<128xi32, #tpu.memory_space<hbm>> -> memref<16xi32, #tpu.memory_space<hbm>>
        tpu.wait_dma2 semaphore(%run_scoped3A : memref<!tpu.dma_semaphore, #tpu.memory_space<semaphore_mem>>) src(%dma_wait3A_58 : memref<16xi32, #tpu.memory_space<hbm>>) dst(%arg12 : memref<16xi32, #tpu.memory_space<vmem>>)
        tpu.yield
      }) : () -> ()
      %dma_start3A = arith.constant 0 : i32
      %dma_start3A_51 = arith.constant 0 : i32
      %dma_start3A_52 = tpu.memref_slice %arg2[%dma_start3A, %dma_start3A_51] : memref<4096x1024xf32, #tpu.memory_space<hbm>> -> memref<4096x1024xf32, #tpu.memory_space<hbm>>
      tpu.enqueue_indirect_dma source(%dma_start3A_52 : memref<4096x1024xf32, #tpu.memory_space<hbm>>) target(%arg13 : memref<16x1024xf32, #tpu.memory_space<vmem>>) offsets(%arg12 : memref<16xi32, #tpu.memory_space<vmem>>) semaphore(%arg14 : memref<!tpu.dma_semaphore, #tpu.memory_space<semaphore_mem>>)
      %dma_wait3A = arith.constant 0 : i32
      %dma_wait3A_53 = arith.constant 0 : i32
      %dma_wait3A_54 = tpu.memref_slice %arg2[%dma_wait3A, %dma_wait3A_53] : memref<4096x1024xf32, #tpu.memory_space<hbm>> -> memref<4096x1024xf32, #tpu.memory_space<hbm>>
      tpu.wait_indirect_dma semaphore(%arg14 : memref<!tpu.dma_semaphore, #tpu.memory_space<semaphore_mem>>) src(%dma_wait3A_54 : memref<4096x1024xf32, #tpu.memory_space<hbm>>) dst(%arg13 : memref<16x1024xf32, #tpu.memory_space<vmem>>)
      "tpu.region"() ({
        %run_scoped3A = tpu.sem_alloc : memref<!tpu.dma_semaphore, #tpu.memory_space<semaphore_mem>>
        %dma_start3A_55 = arith.constant 0 : i32
        %dma_start3A_56 = tpu.memref_slice %arg8[%mul3A_32, %dma_start3A_55] : memref<128x1024xf32, #tpu.memory_space<hbm>> -> memref<16x1024xf32, #tpu.memory_space<hbm>>
        %dma_start3A_57 = arith.constant 0 : i32
        %dma_start3A_58 = tpu.memref_slice %arg8[%mul3A_32, %dma_start3A_57] : memref<128x1024xf32, #tpu.memory_space<hbm>> -> memref<16x1024xf32, #tpu.memory_space<hbm>>
        tpu.enqueue_dma source(%arg13 : memref<16x1024xf32, #tpu.memory_space<vmem>>) target(%dma_start3A_58 : memref<16x1024xf32, #tpu.memory_space<hbm>>) target_semaphore(%run_scoped3A : memref<!tpu.dma_semaphore, #tpu.memory_space<semaphore_mem>>)
        %dma_wait3A_59 = arith.constant 0 : i32
        %dma_wait3A_60 = tpu.memref_slice %arg8[%mul3A_32, %dma_wait3A_59] : memref<128x1024xf32, #tpu.memory_space<hbm>> -> memref<16x1024xf32, #tpu.memory_space<hbm>>
        %dma_wait3A_61 = arith.constant 0 : i32
        %dma_wait3A_62 = tpu.memref_slice %arg8[%mul3A_32, %dma_wait3A_61] : memref<128x1024xf32, #tpu.memory_space<hbm>> -> memref<16x1024xf32, #tpu.memory_space<hbm>>
        tpu.wait_dma2 semaphore(%run_scoped3A : memref<!tpu.dma_semaphore, #tpu.memory_space<semaphore_mem>>) src(%arg13 : memref<16x1024xf32, #tpu.memory_space<vmem>>) dst(%dma_wait3A_62 : memref<16x1024xf32, #tpu.memory_space<hbm>>)
        tpu.yield
      }) : () -> ()
    } else {
    }
    %eq3A_36 = arith.constant 1 : i32
    %eq3A_37 = arith.cmpi eq, %select_n3A, %eq3A_36 : i32
    %convert_element_type3A_38 = arith.extui %eq3A_37 : i1 to i32
    %cond3A_39 = arith.constant 0 : i32
    %cond3A_40 = arith.cmpi ne, %convert_element_type3A_38, %cond3A_39 : i32
    scf.if %cond3A_40 {
      "tpu.region"() ({
        %run_scoped3A = tpu.sem_alloc : memref<!tpu.dma_semaphore, #tpu.memory_space<semaphore_mem>>
        %dma_start3A_55 = tpu.memref_slice %arg5[%mul3A_32] : memref<128xi32, #tpu.memory_space<hbm>> -> memref<16xi32, #tpu.memory_space<hbm>>
        %dma_start3A_56 = tpu.memref_slice %arg5[%mul3A_32] : memref<128xi32, #tpu.memory_space<hbm>> -> memref<16xi32, #tpu.memory_space<hbm>>
        tpu.enqueue_dma source(%dma_start3A_56 : memref<16xi32, #tpu.memory_space<hbm>>) target(%arg12 : memref<16xi32, #tpu.memory_space<vmem>>) target_semaphore(%run_scoped3A : memref<!tpu.dma_semaphore, #tpu.memory_space<semaphore_mem>>)
        %dma_wait3A_57 = tpu.memref_slice %arg5[%mul3A_32] : memref<128xi32, #tpu.memory_space<hbm>> -> memref<16xi32, #tpu.memory_space<hbm>>
        %dma_wait3A_58 = tpu.memref_slice %arg5[%mul3A_32] : memref<128xi32, #tpu.memory_space<hbm>> -> memref<16xi32, #tpu.memory_space<hbm>>
        tpu.wait_dma2 semaphore(%run_scoped3A : memref<!tpu.dma_semaphore, #tpu.memory_space<semaphore_mem>>) src(%dma_wait3A_58 : memref<16xi32, #tpu.memory_space<hbm>>) dst(%arg12 : memref<16xi32, #tpu.memory_space<vmem>>)
        tpu.yield
      }) : () -> ()
      %dma_start3A = arith.constant 0 : i32
      %dma_start3A_51 = arith.constant 0 : i32
      %dma_start3A_52 = tpu.memref_slice %arg2[%dma_start3A, %dma_start3A_51] : memref<4096x1024xf32, #tpu.memory_space<hbm>> -> memref<4096x1024xf32, #tpu.memory_space<hbm>>
      tpu.enqueue_indirect_dma source(%dma_start3A_52 : memref<4096x1024xf32, #tpu.memory_space<hbm>>) target(%arg13 : memref<16x1024xf32, #tpu.memory_space<vmem>>) offsets(%arg12 : memref<16xi32, #tpu.memory_space<vmem>>) semaphore(%arg14 : memref<!tpu.dma_semaphore, #tpu.memory_space<semaphore_mem>>)
      %dma_wait3A = arith.constant 0 : i32
      %dma_wait3A_53 = arith.constant 0 : i32
      %dma_wait3A_54 = tpu.memref_slice %arg2[%dma_wait3A, %dma_wait3A_53] : memref<4096x1024xf32, #tpu.memory_space<hbm>> -> memref<4096x1024xf32, #tpu.memory_space<hbm>>
      tpu.wait_indirect_dma semaphore(%arg14 : memref<!tpu.dma_semaphore, #tpu.memory_space<semaphore_mem>>) src(%dma_wait3A_54 : memref<4096x1024xf32, #tpu.memory_space<hbm>>) dst(%arg13 : memref<16x1024xf32, #tpu.memory_space<vmem>>)
      "tpu.region"() ({
        %run_scoped3A = tpu.sem_alloc : memref<!tpu.dma_semaphore, #tpu.memory_space<semaphore_mem>>
        %dma_start3A_55 = arith.constant 0 : i32
        %dma_start3A_56 = tpu.memref_slice %arg9[%mul3A_32, %dma_start3A_55] : memref<128x1024xf32, #tpu.memory_space<hbm>> -> memref<16x1024xf32, #tpu.memory_space<hbm>>
        %dma_start3A_57 = arith.constant 0 : i32
        %dma_start3A_58 = tpu.memref_slice %arg9[%mul3A_32, %dma_start3A_57] : memref<128x1024xf32, #tpu.memory_space<hbm>> -> memref<16x1024xf32, #tpu.memory_space<hbm>>
        tpu.enqueue_dma source(%arg13 : memref<16x1024xf32, #tpu.memory_space<vmem>>) target(%dma_start3A_58 : memref<16x1024xf32, #tpu.memory_space<hbm>>) target_semaphore(%run_scoped3A : memref<!tpu.dma_semaphore, #tpu.memory_space<semaphore_mem>>)
        %dma_wait3A_59 = arith.constant 0 : i32
        %dma_wait3A_60 = tpu.memref_slice %arg9[%mul3A_32, %dma_wait3A_59] : memref<128x1024xf32, #tpu.memory_space<hbm>> -> memref<16x1024xf32, #tpu.memory_space<hbm>>
        %dma_wait3A_61 = arith.constant 0 : i32
        %dma_wait3A_62 = tpu.memref_slice %arg9[%mul3A_32, %dma_wait3A_61] : memref<128x1024xf32, #tpu.memory_space<hbm>> -> memref<16x1024xf32, #tpu.memory_space<hbm>>
        tpu.wait_dma2 semaphore(%run_scoped3A : memref<!tpu.dma_semaphore, #tpu.memory_space<semaphore_mem>>) src(%arg13 : memref<16x1024xf32, #tpu.memory_space<vmem>>) dst(%dma_wait3A_62 : memref<16x1024xf32, #tpu.memory_space<hbm>>)
        tpu.yield
      }) : () -> ()
    } else {
    }
    %eq3A_41 = arith.constant 2 : i32
    %eq3A_42 = arith.cmpi eq, %select_n3A, %eq3A_41 : i32
    %convert_element_type3A_43 = arith.extui %eq3A_42 : i1 to i32
    %cond3A_44 = arith.constant 0 : i32
    %cond3A_45 = arith.cmpi ne, %convert_element_type3A_43, %cond3A_44 : i32
    scf.if %cond3A_45 {
      "tpu.region"() ({
        %run_scoped3A = tpu.sem_alloc : memref<!tpu.dma_semaphore, #tpu.memory_space<semaphore_mem>>
        %dma_start3A_55 = tpu.memref_slice %arg6[%mul3A_32] : memref<128xi32, #tpu.memory_space<hbm>> -> memref<16xi32, #tpu.memory_space<hbm>>
        %dma_start3A_56 = tpu.memref_slice %arg6[%mul3A_32] : memref<128xi32, #tpu.memory_space<hbm>> -> memref<16xi32, #tpu.memory_space<hbm>>
        tpu.enqueue_dma source(%dma_start3A_56 : memref<16xi32, #tpu.memory_space<hbm>>) target(%arg12 : memref<16xi32, #tpu.memory_space<vmem>>) target_semaphore(%run_scoped3A : memref<!tpu.dma_semaphore, #tpu.memory_space<semaphore_mem>>)
        %dma_wait3A_57 = tpu.memref_slice %arg6[%mul3A_32] : memref<128xi32, #tpu.memory_space<hbm>> -> memref<16xi32, #tpu.memory_space<hbm>>
        %dma_wait3A_58 = tpu.memref_slice %arg6[%mul3A_32] : memref<128xi32, #tpu.memory_space<hbm>> -> memref<16xi32, #tpu.memory_space<hbm>>
        tpu.wait_dma2 semaphore(%run_scoped3A : memref<!tpu.dma_semaphore, #tpu.memory_space<semaphore_mem>>) src(%dma_wait3A_58 : memref<16xi32, #tpu.memory_space<hbm>>) dst(%arg12 : memref<16xi32, #tpu.memory_space<vmem>>)
        tpu.yield
      }) : () -> ()
      %dma_start3A = arith.constant 0 : i32
      %dma_start3A_51 = arith.constant 0 : i32
      %dma_start3A_52 = tpu.memref_slice %arg3[%dma_start3A, %dma_start3A_51] : memref<4096x1024xf32, #tpu.memory_space<hbm>> -> memref<4096x1024xf32, #tpu.memory_space<hbm>>
      tpu.enqueue_indirect_dma source(%dma_start3A_52 : memref<4096x1024xf32, #tpu.memory_space<hbm>>) target(%arg13 : memref<16x1024xf32, #tpu.memory_space<vmem>>) offsets(%arg12 : memref<16xi32, #tpu.memory_space<vmem>>) semaphore(%arg14 : memref<!tpu.dma_semaphore, #tpu.memory_space<semaphore_mem>>)
      %dma_wait3A = arith.constant 0 : i32
      %dma_wait3A_53 = arith.constant 0 : i32
      %dma_wait3A_54 = tpu.memref_slice %arg3[%dma_wait3A, %dma_wait3A_53] : memref<4096x1024xf32, #tpu.memory_space<hbm>> -> memref<4096x1024xf32, #tpu.memory_space<hbm>>
      tpu.wait_indirect_dma semaphore(%arg14 : memref<!tpu.dma_semaphore, #tpu.memory_space<semaphore_mem>>) src(%dma_wait3A_54 : memref<4096x1024xf32, #tpu.memory_space<hbm>>) dst(%arg13 : memref<16x1024xf32, #tpu.memory_space<vmem>>)
      "tpu.region"() ({
        %run_scoped3A = tpu.sem_alloc : memref<!tpu.dma_semaphore, #tpu.memory_space<semaphore_mem>>
        %dma_start3A_55 = arith.constant 0 : i32
        %dma_start3A_56 = tpu.memref_slice %arg10[%mul3A_32, %dma_start3A_55] : memref<128x1024xf32, #tpu.memory_space<hbm>> -> memref<16x1024xf32, #tpu.memory_space<hbm>>
        %dma_start3A_57 = arith.constant 0 : i32
        %dma_start3A_58 = tpu.memref_slice %arg10[%mul3A_32, %dma_start3A_57] : memref<128x1024xf32, #tpu.memory_space<hbm>> -> memref<16x1024xf32, #tpu.memory_space<hbm>>
        tpu.enqueue_dma source(%arg13 : memref<16x1024xf32, #tpu.memory_space<vmem>>) target(%dma_start3A_58 : memref<16x1024xf32, #tpu.memory_space<hbm>>) target_semaphore(%run_scoped3A : memref<!tpu.dma_semaphore, #tpu.memory_space<semaphore_mem>>)
        %dma_wait3A_59 = arith.constant 0 : i32
        %dma_wait3A_60 = tpu.memref_slice %arg10[%mul3A_32, %dma_wait3A_59] : memref<128x1024xf32, #tpu.memory_space<hbm>> -> memref<16x1024xf32, #tpu.memory_space<hbm>>
        %dma_wait3A_61 = arith.constant 0 : i32
        %dma_wait3A_62 = tpu.memref_slice %arg10[%mul3A_32, %dma_wait3A_61] : memref<128x1024xf32, #tpu.memory_space<hbm>> -> memref<16x1024xf32, #tpu.memory_space<hbm>>
        tpu.wait_dma2 semaphore(%run_scoped3A : memref<!tpu.dma_semaphore, #tpu.memory_space<semaphore_mem>>) src(%arg13 : memref<16x1024xf32, #tpu.memory_space<vmem>>) dst(%dma_wait3A_62 : memref<16x1024xf32, #tpu.memory_space<hbm>>)
        tpu.yield
      }) : () -> ()
    } else {
    }
    %eq3A_46 = arith.constant 3 : i32
    %eq3A_47 = arith.cmpi eq, %select_n3A, %eq3A_46 : i32
    %convert_element_type3A_48 = arith.extui %eq3A_47 : i1 to i32
    %cond3A_49 = arith.constant 0 : i32
    %cond3A_50 = arith.cmpi ne, %convert_element_type3A_48, %cond3A_49 : i32
    scf.if %cond3A_50 {
      "tpu.region"() ({
        %run_scoped3A = tpu.sem_alloc : memref<!tpu.dma_semaphore, #tpu.memory_space<semaphore_mem>>
        %dma_start3A_55 = tpu.memref_slice %arg7[%mul3A_32] : memref<128xi32, #tpu.memory_space<hbm>> -> memref<16xi32, #tpu.memory_space<hbm>>
        %dma_start3A_56 = tpu.memref_slice %arg7[%mul3A_32] : memref<128xi32, #tpu.memory_space<hbm>> -> memref<16xi32, #tpu.memory_space<hbm>>
        tpu.enqueue_dma source(%dma_start3A_56 : memref<16xi32, #tpu.memory_space<hbm>>) target(%arg12 : memref<16xi32, #tpu.memory_space<vmem>>) target_semaphore(%run_scoped3A : memref<!tpu.dma_semaphore, #tpu.memory_space<semaphore_mem>>)
        %dma_wait3A_57 = tpu.memref_slice %arg7[%mul3A_32] : memref<128xi32, #tpu.memory_space<hbm>> -> memref<16xi32, #tpu.memory_space<hbm>>
        %dma_wait3A_58 = tpu.memref_slice %arg7[%mul3A_32] : memref<128xi32, #tpu.memory_space<hbm>> -> memref<16xi32, #tpu.memory_space<hbm>>
        tpu.wait_dma2 semaphore(%run_scoped3A : memref<!tpu.dma_semaphore, #tpu.memory_space<semaphore_mem>>) src(%dma_wait3A_58 : memref<16xi32, #tpu.memory_space<hbm>>) dst(%arg12 : memref<16xi32, #tpu.memory_space<vmem>>)
        tpu.yield
      }) : () -> ()
      %dma_start3A = arith.constant 0 : i32
      %dma_start3A_51 = arith.constant 0 : i32
      %dma_start3A_52 = tpu.memref_slice %arg3[%dma_start3A, %dma_start3A_51] : memref<4096x1024xf32, #tpu.memory_space<hbm>> -> memref<4096x1024xf32, #tpu.memory_space<hbm>>
      tpu.enqueue_indirect_dma source(%dma_start3A_52 : memref<4096x1024xf32, #tpu.memory_space<hbm>>) target(%arg13 : memref<16x1024xf32, #tpu.memory_space<vmem>>) offsets(%arg12 : memref<16xi32, #tpu.memory_space<vmem>>) semaphore(%arg14 : memref<!tpu.dma_semaphore, #tpu.memory_space<semaphore_mem>>)
      %dma_wait3A = arith.constant 0 : i32
      %dma_wait3A_53 = arith.constant 0 : i32
      %dma_wait3A_54 = tpu.memref_slice %arg3[%dma_wait3A, %dma_wait3A_53] : memref<4096x1024xf32, #tpu.memory_space<hbm>> -> memref<4096x1024xf32, #tpu.memory_space<hbm>>
      tpu.wait_indirect_dma semaphore(%arg14 : memref<!tpu.dma_semaphore, #tpu.memory_space<semaphore_mem>>) src(%dma_wait3A_54 : memref<4096x1024xf32, #tpu.memory_space<hbm>>) dst(%arg13 : memref<16x1024xf32, #tpu.memory_space<vmem>>)
      "tpu.region"() ({
        %run_scoped3A = tpu.sem_alloc : memref<!tpu.dma_semaphore, #tpu.memory_space<semaphore_mem>>
        %dma_start3A_55 = arith.constant 0 : i32
        %dma_start3A_56 = tpu.memref_slice %arg11[%mul3A_32, %dma_start3A_55] : memref<128x1024xf32, #tpu.memory_space<hbm>> -> memref<16x1024xf32, #tpu.memory_space<hbm>>
        %dma_start3A_57 = arith.constant 0 : i32
        %dma_start3A_58 = tpu.memref_slice %arg11[%mul3A_32, %dma_start3A_57] : memref<128x1024xf32, #tpu.memory_space<hbm>> -> memref<16x1024xf32, #tpu.memory_space<hbm>>
        tpu.enqueue_dma source(%arg13 : memref<16x1024xf32, #tpu.memory_space<vmem>>) target(%dma_start3A_58 : memref<16x1024xf32, #tpu.memory_space<hbm>>) target_semaphore(%run_scoped3A : memref<!tpu.dma_semaphore, #tpu.memory_space<semaphore_mem>>)
        %dma_wait3A_59 = arith.constant 0 : i32
        %dma_wait3A_60 = tpu.memref_slice %arg11[%mul3A_32, %dma_wait3A_59] : memref<128x1024xf32, #tpu.memory_space<hbm>> -> memref<16x1024xf32, #tpu.memory_space<hbm>>
        %dma_wait3A_61 = arith.constant 0 : i32
        %dma_wait3A_62 = tpu.memref_slice %arg11[%mul3A_32, %dma_wait3A_61] : memref<128x1024xf32, #tpu.memory_space<hbm>> -> memref<16x1024xf32, #tpu.memory_space<hbm>>
        tpu.wait_dma2 semaphore(%run_scoped3A : memref<!tpu.dma_semaphore, #tpu.memory_space<semaphore_mem>>) src(%arg13 : memref<16x1024xf32, #tpu.memory_space<vmem>>) dst(%dma_wait3A_62 : memref<16x1024xf32, #tpu.memory_space<hbm>>)
        tpu.yield
      }) : () -> ()
    } else {
    }
    return
  }
}

module attributes {stable_mosaic.version = 14 : i64} {
  func.func @_mining_body(%arg0: memref<1x4096xi32, #tpu.memory_space<vmem>>, %arg1: memref<1x4096xi32, #tpu.memory_space<vmem>>, %arg2: memref<1x4096xi32, #tpu.memory_space<vmem>>, %arg3: memref<1x4096xi32, #tpu.memory_space<vmem>>, %arg4: memref<1x4096xi32, #tpu.memory_space<vmem>>, %arg5: memref<1x4096xi32, #tpu.memory_space<vmem>>, %arg6: memref<1x4096xi32, #tpu.memory_space<vmem>>, %arg7: memref<1x4096xi32, #tpu.memory_space<vmem>>) attributes {dimension_semantics = [], scalar_prefetch = 0 : i64, scratch_operands = 0 : i64, tpu.core_type = #tpu.core_type<tc>} {
    %get3A = arith.constant 0 : index
    %get3A_0 = arith.constant 0 : index
    %get3A_1 = vector.load %arg0[%get3A, %get3A_0] : memref<1x4096xi32, #tpu.memory_space<vmem>>, vector<1x4096xi32>
    %get3A_2 = arith.constant 0 : index
    %get3A_3 = arith.constant 0 : index
    %get3A_4 = vector.load %arg1[%get3A_2, %get3A_3] : memref<1x4096xi32, #tpu.memory_space<vmem>>, vector<1x4096xi32>
    %iota3A = tpu.iota {dimensions = array<i32: 0>} : vector<128x4096xi32>
    %iota3A_5 = tpu.iota {dimensions = array<i32: 1>} : vector<128x4096xi32>
    %eq3A = vector.broadcast %get3A_1 : vector<1x4096xi32> to vector<128x4096xi32>
    %eq3A_6 = arith.cmpi eq, %eq3A, %iota3A : vector<128x4096xi32>
    %eq3A_7 = vector.broadcast %get3A_4 : vector<1x4096xi32> to vector<128x4096xi32>
    %eq3A_8 = arith.cmpi eq, %eq3A_7, %iota3A : vector<128x4096xi32>
    %convert_element_type3A = arith.extui %eq3A_6 : vector<128x4096xi1> to vector<128x4096xi32>
    %reduce_sum3A = arith.constant dense<0> : vector<128xi32>
    %reduce_sum3A_9 = vector.multi_reduction <add>, %convert_element_type3A, %reduce_sum3A [1] : vector<128x4096xi32> to vector<128xi32>
    %broadcast_in_dim3A = vector.shape_cast %reduce_sum3A_9 : vector<128xi32> to vector<128x1xi32>
    %convert_element_type3A_10 = arith.extui %eq3A_8 : vector<128x4096xi1> to vector<128x4096xi32>
    %reduce_sum3A_11 = arith.constant dense<0> : vector<128xi32>
    %reduce_sum3A_12 = vector.multi_reduction <add>, %convert_element_type3A_10, %reduce_sum3A_11 [1] : vector<128x4096xi32> to vector<128xi32>
    %broadcast_in_dim3A_13 = vector.shape_cast %reduce_sum3A_12 : vector<128xi32> to vector<128x1xi32>
    %jit3A = arith.constant 4096 : i32
    %broadcast_in_dim3A_14 = vector.broadcast %jit3A : i32 to vector<128x4096xi32>
    %select_n3A = arith.select %eq3A_6, %iota3A_5, %broadcast_in_dim3A_14 : vector<128x4096xi1>, vector<128x4096xi32>
    %reduce_min3A = arith.constant dense<2147483647> : vector<128xi32>
    %reduce_min3A_15 = vector.multi_reduction <minsi>, %select_n3A, %reduce_min3A [1] : vector<128x4096xi32> to vector<128xi32>
    %broadcast_in_dim3A_16 = vector.shape_cast %reduce_min3A_15 : vector<128xi32> to vector<128x1xi32>
    %ne3A = vector.broadcast %broadcast_in_dim3A_16 : vector<128x1xi32> to vector<128x4096xi32>
    %ne3A_17 = arith.cmpi ne, %iota3A_5, %ne3A : vector<128x4096xi32>
    %and3A = arith.andi %eq3A_6, %ne3A_17 : vector<128x4096xi1>
    %jit3A_18 = arith.constant 4096 : i32
    %broadcast_in_dim3A_19 = vector.broadcast %jit3A_18 : i32 to vector<128x4096xi32>
    %select_n3A_20 = arith.select %and3A, %iota3A_5, %broadcast_in_dim3A_19 : vector<128x4096xi1>, vector<128x4096xi32>
    %reduce_min3A_21 = arith.constant dense<2147483647> : vector<128xi32>
    %reduce_min3A_22 = vector.multi_reduction <minsi>, %select_n3A_20, %reduce_min3A_21 [1] : vector<128x4096xi32> to vector<128xi32>
    %broadcast_in_dim3A_23 = vector.shape_cast %reduce_min3A_22 : vector<128xi32> to vector<128x1xi32>
    %jit3A_24 = arith.constant 4096 : i32
    %broadcast_in_dim3A_25 = vector.broadcast %jit3A_24 : i32 to vector<128x4096xi32>
    %select_n3A_26 = arith.select %eq3A_8, %iota3A_5, %broadcast_in_dim3A_25 : vector<128x4096xi1>, vector<128x4096xi32>
    %reduce_min3A_27 = arith.constant dense<2147483647> : vector<128xi32>
    %reduce_min3A_28 = vector.multi_reduction <minsi>, %select_n3A_26, %reduce_min3A_27 [1] : vector<128x4096xi32> to vector<128xi32>
    %broadcast_in_dim3A_29 = vector.shape_cast %reduce_min3A_28 : vector<128xi32> to vector<128x1xi32>
    %ne3A_30 = vector.broadcast %broadcast_in_dim3A_29 : vector<128x1xi32> to vector<128x4096xi32>
    %ne3A_31 = arith.cmpi ne, %iota3A_5, %ne3A_30 : vector<128x4096xi32>
    %and3A_32 = arith.andi %eq3A_8, %ne3A_31 : vector<128x4096xi1>
    %jit3A_33 = arith.constant 4096 : i32
    %broadcast_in_dim3A_34 = vector.broadcast %jit3A_33 : i32 to vector<128x4096xi32>
    %select_n3A_35 = arith.select %and3A_32, %iota3A_5, %broadcast_in_dim3A_34 : vector<128x4096xi1>, vector<128x4096xi32>
    %reduce_min3A_36 = arith.constant dense<2147483647> : vector<128xi32>
    %reduce_min3A_37 = vector.multi_reduction <minsi>, %select_n3A_35, %reduce_min3A_36 [1] : vector<128x4096xi32> to vector<128xi32>
    %broadcast_in_dim3A_38 = vector.shape_cast %reduce_min3A_37 : vector<128xi32> to vector<128x1xi32>
    %jit3A_39 = arith.constant 0 : i32
    %jit3A_40 = arith.constant 1 : i32
    %broadcast_in_dim3A_41 = vector.broadcast %jit3A_39 : i32 to vector<128x4096xi32>
    %broadcast_in_dim3A_42 = vector.broadcast %jit3A_40 : i32 to vector<128x4096xi32>
    %select_n3A_43 = arith.select %eq3A_6, %broadcast_in_dim3A_41, %broadcast_in_dim3A_42 : vector<128x4096xi1>, vector<128x4096xi32>
    %broadcast_in_dim3A_44 = arith.constant 0 : i32
    %broadcast_in_dim3A_45 = vector.broadcast %broadcast_in_dim3A_44 : i32 to vector<128x1xi32>
    %slice3A = vector.extract_strided_slice %select_n3A_43 {offsets = [0, 0], sizes = [128, 4095], strides = [1, 1]} : vector<128x4096xi32> to vector<128x4095xi32>
    %concatenate3A = tpu.concatenate %broadcast_in_dim3A_45, %slice3A in 1 : vector<128x1xi32>, vector<128x4095xi32> -> vector<128x4096xi32>
    %add3A = arith.addi %select_n3A_43, %concatenate3A : vector<128x4096xi32>
    %broadcast_in_dim3A_46 = arith.constant 0 : i32
    %broadcast_in_dim3A_47 = vector.broadcast %broadcast_in_dim3A_46 : i32 to vector<128x2xi32>
    %slice3A_48 = vector.extract_strided_slice %add3A {offsets = [0, 0], sizes = [128, 4094], strides = [1, 1]} : vector<128x4096xi32> to vector<128x4094xi32>
    %concatenate3A_49 = tpu.concatenate %broadcast_in_dim3A_47, %slice3A_48 in 1 : vector<128x2xi32>, vector<128x4094xi32> -> vector<128x4096xi32>
    %add3A_50 = arith.addi %add3A, %concatenate3A_49 : vector<128x4096xi32>
    %broadcast_in_dim3A_51 = arith.constant 0 : i32
    %broadcast_in_dim3A_52 = vector.broadcast %broadcast_in_dim3A_51 : i32 to vector<128x4xi32>
    %slice3A_53 = vector.extract_strided_slice %add3A_50 {offsets = [0, 0], sizes = [128, 4092], strides = [1, 1]} : vector<128x4096xi32> to vector<128x4092xi32>
    %concatenate3A_54 = tpu.concatenate %broadcast_in_dim3A_52, %slice3A_53 in 1 : vector<128x4xi32>, vector<128x4092xi32> -> vector<128x4096xi32>
    %add3A_55 = arith.addi %add3A_50, %concatenate3A_54 : vector<128x4096xi32>
    %broadcast_in_dim3A_56 = arith.constant 0 : i32
    %broadcast_in_dim3A_57 = vector.broadcast %broadcast_in_dim3A_56 : i32 to vector<128x8xi32>
    %slice3A_58 = vector.extract_strided_slice %add3A_55 {offsets = [0, 0], sizes = [128, 4088], strides = [1, 1]} : vector<128x4096xi32> to vector<128x4088xi32>
    %concatenate3A_59 = tpu.concatenate %broadcast_in_dim3A_57, %slice3A_58 in 1 : vector<128x8xi32>, vector<128x4088xi32> -> vector<128x4096xi32>
    %add3A_60 = arith.addi %add3A_55, %concatenate3A_59 : vector<128x4096xi32>
    %broadcast_in_dim3A_61 = arith.constant 0 : i32
    %broadcast_in_dim3A_62 = vector.broadcast %broadcast_in_dim3A_61 : i32 to vector<128x16xi32>
    %slice3A_63 = vector.extract_strided_slice %add3A_60 {offsets = [0, 0], sizes = [128, 4080], strides = [1, 1]} : vector<128x4096xi32> to vector<128x4080xi32>
    %concatenate3A_64 = tpu.concatenate %broadcast_in_dim3A_62, %slice3A_63 in 1 : vector<128x16xi32>, vector<128x4080xi32> -> vector<128x4096xi32>
    %add3A_65 = arith.addi %add3A_60, %concatenate3A_64 : vector<128x4096xi32>
    %broadcast_in_dim3A_66 = arith.constant 0 : i32
    %broadcast_in_dim3A_67 = vector.broadcast %broadcast_in_dim3A_66 : i32 to vector<128x32xi32>
    %slice3A_68 = vector.extract_strided_slice %add3A_65 {offsets = [0, 0], sizes = [128, 4064], strides = [1, 1]} : vector<128x4096xi32> to vector<128x4064xi32>
    %concatenate3A_69 = tpu.concatenate %broadcast_in_dim3A_67, %slice3A_68 in 1 : vector<128x32xi32>, vector<128x4064xi32> -> vector<128x4096xi32>
    %add3A_70 = arith.addi %add3A_65, %concatenate3A_69 : vector<128x4096xi32>
    %broadcast_in_dim3A_71 = arith.constant 0 : i32
    %broadcast_in_dim3A_72 = vector.broadcast %broadcast_in_dim3A_71 : i32 to vector<128x64xi32>
    %slice3A_73 = vector.extract_strided_slice %add3A_70 {offsets = [0, 0], sizes = [128, 4032], strides = [1, 1]} : vector<128x4096xi32> to vector<128x4032xi32>
    %concatenate3A_74 = tpu.concatenate %broadcast_in_dim3A_72, %slice3A_73 in 1 : vector<128x64xi32>, vector<128x4032xi32> -> vector<128x4096xi32>
    %add3A_75 = arith.addi %add3A_70, %concatenate3A_74 : vector<128x4096xi32>
    %broadcast_in_dim3A_76 = arith.constant 0 : i32
    %broadcast_in_dim3A_77 = vector.broadcast %broadcast_in_dim3A_76 : i32 to vector<128x128xi32>
    %slice3A_78 = vector.extract_strided_slice %add3A_75 {offsets = [0, 0], sizes = [128, 3968], strides = [1, 1]} : vector<128x4096xi32> to vector<128x3968xi32>
    %concatenate3A_79 = tpu.concatenate %broadcast_in_dim3A_77, %slice3A_78 in 1 : vector<128x128xi32>, vector<128x3968xi32> -> vector<128x4096xi32>
    %add3A_80 = arith.addi %add3A_75, %concatenate3A_79 : vector<128x4096xi32>
    %broadcast_in_dim3A_81 = arith.constant 0 : i32
    %broadcast_in_dim3A_82 = vector.broadcast %broadcast_in_dim3A_81 : i32 to vector<128x256xi32>
    %slice3A_83 = vector.extract_strided_slice %add3A_80 {offsets = [0, 0], sizes = [128, 3840], strides = [1, 1]} : vector<128x4096xi32> to vector<128x3840xi32>
    %concatenate3A_84 = tpu.concatenate %broadcast_in_dim3A_82, %slice3A_83 in 1 : vector<128x256xi32>, vector<128x3840xi32> -> vector<128x4096xi32>
    %add3A_85 = arith.addi %add3A_80, %concatenate3A_84 : vector<128x4096xi32>
    %broadcast_in_dim3A_86 = arith.constant 0 : i32
    %broadcast_in_dim3A_87 = vector.broadcast %broadcast_in_dim3A_86 : i32 to vector<128x512xi32>
    %slice3A_88 = vector.extract_strided_slice %add3A_85 {offsets = [0, 0], sizes = [128, 3584], strides = [1, 1]} : vector<128x4096xi32> to vector<128x3584xi32>
    %concatenate3A_89 = tpu.concatenate %broadcast_in_dim3A_87, %slice3A_88 in 1 : vector<128x512xi32>, vector<128x3584xi32> -> vector<128x4096xi32>
    %add3A_90 = arith.addi %add3A_85, %concatenate3A_89 : vector<128x4096xi32>
    %broadcast_in_dim3A_91 = arith.constant 0 : i32
    %broadcast_in_dim3A_92 = vector.broadcast %broadcast_in_dim3A_91 : i32 to vector<128x1024xi32>
    %slice3A_93 = vector.extract_strided_slice %add3A_90 {offsets = [0, 0], sizes = [128, 3072], strides = [1, 1]} : vector<128x4096xi32> to vector<128x3072xi32>
    %concatenate3A_94 = tpu.concatenate %broadcast_in_dim3A_92, %slice3A_93 in 1 : vector<128x1024xi32>, vector<128x3072xi32> -> vector<128x4096xi32>
    %add3A_95 = arith.addi %add3A_90, %concatenate3A_94 : vector<128x4096xi32>
    %broadcast_in_dim3A_96 = arith.constant 0 : i32
    %broadcast_in_dim3A_97 = vector.broadcast %broadcast_in_dim3A_96 : i32 to vector<128x2048xi32>
    %slice3A_98 = vector.extract_strided_slice %add3A_95 {offsets = [0, 0], sizes = [128, 2048], strides = [1, 1]} : vector<128x4096xi32> to vector<128x2048xi32>
    %concatenate3A_99 = tpu.concatenate %broadcast_in_dim3A_97, %slice3A_98 in 1 : vector<128x2048xi32>, vector<128x2048xi32> -> vector<128x4096xi32>
    %add3A_100 = arith.addi %add3A_95, %concatenate3A_99 : vector<128x4096xi32>
    %jit3A_101 = arith.constant 0 : i32
    %jit3A_102 = arith.constant 1 : i32
    %broadcast_in_dim3A_103 = vector.broadcast %jit3A_101 : i32 to vector<128x4096xi32>
    %broadcast_in_dim3A_104 = vector.broadcast %jit3A_102 : i32 to vector<128x4096xi32>
    %select_n3A_105 = arith.select %eq3A_8, %broadcast_in_dim3A_103, %broadcast_in_dim3A_104 : vector<128x4096xi1>, vector<128x4096xi32>
    %broadcast_in_dim3A_106 = arith.constant 0 : i32
    %broadcast_in_dim3A_107 = vector.broadcast %broadcast_in_dim3A_106 : i32 to vector<128x1xi32>
    %slice3A_108 = vector.extract_strided_slice %select_n3A_105 {offsets = [0, 0], sizes = [128, 4095], strides = [1, 1]} : vector<128x4096xi32> to vector<128x4095xi32>
    %concatenate3A_109 = tpu.concatenate %broadcast_in_dim3A_107, %slice3A_108 in 1 : vector<128x1xi32>, vector<128x4095xi32> -> vector<128x4096xi32>
    %add3A_110 = arith.addi %select_n3A_105, %concatenate3A_109 : vector<128x4096xi32>
    %broadcast_in_dim3A_111 = arith.constant 0 : i32
    %broadcast_in_dim3A_112 = vector.broadcast %broadcast_in_dim3A_111 : i32 to vector<128x2xi32>
    %slice3A_113 = vector.extract_strided_slice %add3A_110 {offsets = [0, 0], sizes = [128, 4094], strides = [1, 1]} : vector<128x4096xi32> to vector<128x4094xi32>
    %concatenate3A_114 = tpu.concatenate %broadcast_in_dim3A_112, %slice3A_113 in 1 : vector<128x2xi32>, vector<128x4094xi32> -> vector<128x4096xi32>
    %add3A_115 = arith.addi %add3A_110, %concatenate3A_114 : vector<128x4096xi32>
    %broadcast_in_dim3A_116 = arith.constant 0 : i32
    %broadcast_in_dim3A_117 = vector.broadcast %broadcast_in_dim3A_116 : i32 to vector<128x4xi32>
    %slice3A_118 = vector.extract_strided_slice %add3A_115 {offsets = [0, 0], sizes = [128, 4092], strides = [1, 1]} : vector<128x4096xi32> to vector<128x4092xi32>
    %concatenate3A_119 = tpu.concatenate %broadcast_in_dim3A_117, %slice3A_118 in 1 : vector<128x4xi32>, vector<128x4092xi32> -> vector<128x4096xi32>
    %add3A_120 = arith.addi %add3A_115, %concatenate3A_119 : vector<128x4096xi32>
    %broadcast_in_dim3A_121 = arith.constant 0 : i32
    %broadcast_in_dim3A_122 = vector.broadcast %broadcast_in_dim3A_121 : i32 to vector<128x8xi32>
    %slice3A_123 = vector.extract_strided_slice %add3A_120 {offsets = [0, 0], sizes = [128, 4088], strides = [1, 1]} : vector<128x4096xi32> to vector<128x4088xi32>
    %concatenate3A_124 = tpu.concatenate %broadcast_in_dim3A_122, %slice3A_123 in 1 : vector<128x8xi32>, vector<128x4088xi32> -> vector<128x4096xi32>
    %add3A_125 = arith.addi %add3A_120, %concatenate3A_124 : vector<128x4096xi32>
    %broadcast_in_dim3A_126 = arith.constant 0 : i32
    %broadcast_in_dim3A_127 = vector.broadcast %broadcast_in_dim3A_126 : i32 to vector<128x16xi32>
    %slice3A_128 = vector.extract_strided_slice %add3A_125 {offsets = [0, 0], sizes = [128, 4080], strides = [1, 1]} : vector<128x4096xi32> to vector<128x4080xi32>
    %concatenate3A_129 = tpu.concatenate %broadcast_in_dim3A_127, %slice3A_128 in 1 : vector<128x16xi32>, vector<128x4080xi32> -> vector<128x4096xi32>
    %add3A_130 = arith.addi %add3A_125, %concatenate3A_129 : vector<128x4096xi32>
    %broadcast_in_dim3A_131 = arith.constant 0 : i32
    %broadcast_in_dim3A_132 = vector.broadcast %broadcast_in_dim3A_131 : i32 to vector<128x32xi32>
    %slice3A_133 = vector.extract_strided_slice %add3A_130 {offsets = [0, 0], sizes = [128, 4064], strides = [1, 1]} : vector<128x4096xi32> to vector<128x4064xi32>
    %concatenate3A_134 = tpu.concatenate %broadcast_in_dim3A_132, %slice3A_133 in 1 : vector<128x32xi32>, vector<128x4064xi32> -> vector<128x4096xi32>
    %add3A_135 = arith.addi %add3A_130, %concatenate3A_134 : vector<128x4096xi32>
    %broadcast_in_dim3A_136 = arith.constant 0 : i32
    %broadcast_in_dim3A_137 = vector.broadcast %broadcast_in_dim3A_136 : i32 to vector<128x64xi32>
    %slice3A_138 = vector.extract_strided_slice %add3A_135 {offsets = [0, 0], sizes = [128, 4032], strides = [1, 1]} : vector<128x4096xi32> to vector<128x4032xi32>
    %concatenate3A_139 = tpu.concatenate %broadcast_in_dim3A_137, %slice3A_138 in 1 : vector<128x64xi32>, vector<128x4032xi32> -> vector<128x4096xi32>
    %add3A_140 = arith.addi %add3A_135, %concatenate3A_139 : vector<128x4096xi32>
    %broadcast_in_dim3A_141 = arith.constant 0 : i32
    %broadcast_in_dim3A_142 = vector.broadcast %broadcast_in_dim3A_141 : i32 to vector<128x128xi32>
    %slice3A_143 = vector.extract_strided_slice %add3A_140 {offsets = [0, 0], sizes = [128, 3968], strides = [1, 1]} : vector<128x4096xi32> to vector<128x3968xi32>
    %concatenate3A_144 = tpu.concatenate %broadcast_in_dim3A_142, %slice3A_143 in 1 : vector<128x128xi32>, vector<128x3968xi32> -> vector<128x4096xi32>
    %add3A_145 = arith.addi %add3A_140, %concatenate3A_144 : vector<128x4096xi32>
    %broadcast_in_dim3A_146 = arith.constant 0 : i32
    %broadcast_in_dim3A_147 = vector.broadcast %broadcast_in_dim3A_146 : i32 to vector<128x256xi32>
    %slice3A_148 = vector.extract_strided_slice %add3A_145 {offsets = [0, 0], sizes = [128, 3840], strides = [1, 1]} : vector<128x4096xi32> to vector<128x3840xi32>
    %concatenate3A_149 = tpu.concatenate %broadcast_in_dim3A_147, %slice3A_148 in 1 : vector<128x256xi32>, vector<128x3840xi32> -> vector<128x4096xi32>
    %add3A_150 = arith.addi %add3A_145, %concatenate3A_149 : vector<128x4096xi32>
    %broadcast_in_dim3A_151 = arith.constant 0 : i32
    %broadcast_in_dim3A_152 = vector.broadcast %broadcast_in_dim3A_151 : i32 to vector<128x512xi32>
    %slice3A_153 = vector.extract_strided_slice %add3A_150 {offsets = [0, 0], sizes = [128, 3584], strides = [1, 1]} : vector<128x4096xi32> to vector<128x3584xi32>
    %concatenate3A_154 = tpu.concatenate %broadcast_in_dim3A_152, %slice3A_153 in 1 : vector<128x512xi32>, vector<128x3584xi32> -> vector<128x4096xi32>
    %add3A_155 = arith.addi %add3A_150, %concatenate3A_154 : vector<128x4096xi32>
    %broadcast_in_dim3A_156 = arith.constant 0 : i32
    %broadcast_in_dim3A_157 = vector.broadcast %broadcast_in_dim3A_156 : i32 to vector<128x1024xi32>
    %slice3A_158 = vector.extract_strided_slice %add3A_155 {offsets = [0, 0], sizes = [128, 3072], strides = [1, 1]} : vector<128x4096xi32> to vector<128x3072xi32>
    %concatenate3A_159 = tpu.concatenate %broadcast_in_dim3A_157, %slice3A_158 in 1 : vector<128x1024xi32>, vector<128x3072xi32> -> vector<128x4096xi32>
    %add3A_160 = arith.addi %add3A_155, %concatenate3A_159 : vector<128x4096xi32>
    %broadcast_in_dim3A_161 = arith.constant 0 : i32
    %broadcast_in_dim3A_162 = vector.broadcast %broadcast_in_dim3A_161 : i32 to vector<128x2048xi32>
    %slice3A_163 = vector.extract_strided_slice %add3A_160 {offsets = [0, 0], sizes = [128, 2048], strides = [1, 1]} : vector<128x4096xi32> to vector<128x2048xi32>
    %concatenate3A_164 = tpu.concatenate %broadcast_in_dim3A_162, %slice3A_163 in 1 : vector<128x2048xi32>, vector<128x2048xi32> -> vector<128x4096xi32>
    %add3A_165 = arith.addi %add3A_160, %concatenate3A_164 : vector<128x4096xi32>
    %iota3A_166 = tpu.iota {dimensions = array<i32: 1>} : vector<1x4096xi32>
    %jit3A_167 = arith.constant 0 : i32
    %broadcast_in_dim3A_168 = vector.shape_cast %broadcast_in_dim3A : vector<128x1xi32> to vector<128x1xi32>
    %broadcast_in_dim3A_169 = vector.broadcast %broadcast_in_dim3A_168 : vector<128x1xi32> to vector<128x4096xi32>
    %broadcast_in_dim3A_170 = vector.broadcast %jit3A_167 : i32 to vector<128x4096xi32>
    %select_n3A_171 = arith.select %eq3A_8, %broadcast_in_dim3A_169, %broadcast_in_dim3A_170 : vector<128x4096xi1>, vector<128x4096xi32>
    %reduce_sum3A_172 = arith.constant dense<0> : vector<4096xi32>
    %reduce_sum3A_173 = vector.multi_reduction <add>, %select_n3A_171, %reduce_sum3A_172 [0] : vector<128x4096xi32> to vector<4096xi32>
    %broadcast_in_dim3A_174 = vector.shape_cast %reduce_sum3A_173 : vector<4096xi32> to vector<1x4096xi32>
    %reduce_max3A = vector.shape_cast %broadcast_in_dim3A_174 : vector<1x4096xi32> to vector<1x1x4096xi32>
    %reduce_max3A_175 = arith.constant dense<-2147483648> : vector<1xi32>
    %reduce_max3A_176 = vector.multi_reduction <maxsi>, %reduce_max3A, %reduce_max3A_175 [1, 2] : vector<1x1x4096xi32> to vector<1xi32>
    %reduce_max3A_177 = vector.shape_cast %reduce_max3A_176 : vector<1xi32> to vector<1x1x1xi32>
    %reduce_max3A_178 = vector.extract %reduce_max3A_177[0, 0, 0] : i32 from vector<1x1x1xi32>
    %sub3A = arith.constant 4096 : i32
    %sub3A_179 = arith.subi %sub3A, %reduce_max3A_178 : i32
    %add3A_180 = arith.constant 1 : i32
    %add3A_181 = arith.addi %sub3A_179, %add3A_180 : i32
    %eq3A_182 = vector.broadcast %add3A_181 : i32 to vector<128x4096xi32>
    %eq3A_183 = arith.cmpi eq, %add3A_100, %eq3A_182 : vector<128x4096xi32>
    %jit3A_184 = arith.constant 4096 : i32
    %broadcast_in_dim3A_185 = vector.broadcast %jit3A_184 : i32 to vector<128x4096xi32>
    %select_n3A_186 = arith.select %eq3A_183, %iota3A_5, %broadcast_in_dim3A_185 : vector<128x4096xi1>, vector<128x4096xi32>
    %reduce_min3A_187 = arith.constant dense<2147483647> : vector<128xi32>
    %reduce_min3A_188 = vector.multi_reduction <minsi>, %select_n3A_186, %reduce_min3A_187 [1] : vector<128x4096xi32> to vector<128xi32>
    %broadcast_in_dim3A_189 = vector.shape_cast %reduce_min3A_188 : vector<128xi32> to vector<128x1xi32>
    %jit3A_190 = arith.constant 0 : i32
    %broadcast_in_dim3A_191 = vector.shape_cast %broadcast_in_dim3A_189 : vector<128x1xi32> to vector<128x1xi32>
    %broadcast_in_dim3A_192 = vector.broadcast %broadcast_in_dim3A_191 : vector<128x1xi32> to vector<128x4096xi32>
    %broadcast_in_dim3A_193 = vector.broadcast %jit3A_190 : i32 to vector<128x4096xi32>
    %select_n3A_194 = arith.select %eq3A_8, %broadcast_in_dim3A_192, %broadcast_in_dim3A_193 : vector<128x4096xi1>, vector<128x4096xi32>
    %reduce_sum3A_195 = arith.constant dense<0> : vector<4096xi32>
    %reduce_sum3A_196 = vector.multi_reduction <add>, %select_n3A_194, %reduce_sum3A_195 [0] : vector<128x4096xi32> to vector<4096xi32>
    %broadcast_in_dim3A_197 = vector.shape_cast %reduce_sum3A_196 : vector<4096xi32> to vector<1x4096xi32>
    %swap3A = arith.constant 0 : index
    %swap3A_198 = arith.constant 0 : index
    %swap3A_199 = vector.load %arg3[%swap3A, %swap3A_198] : memref<1x4096xi32, #tpu.memory_space<vmem>>, vector<1x4096xi32>
    tpu.vector_store %arg3[%swap3A, %swap3A_198], %broadcast_in_dim3A_197 {strides = array<i32>} : memref<1x4096xi32, #tpu.memory_space<vmem>>, vector<1x4096xi32>,
    %jit3A_200 = arith.constant 0 : i32
    %broadcast_in_dim3A_201 = vector.shape_cast %broadcast_in_dim3A_16 : vector<128x1xi32> to vector<128x1xi32>
    %broadcast_in_dim3A_202 = vector.broadcast %broadcast_in_dim3A_201 : vector<128x1xi32> to vector<128x4096xi32>
    %broadcast_in_dim3A_203 = vector.broadcast %jit3A_200 : i32 to vector<128x4096xi32>
    %select_n3A_204 = arith.select %eq3A_8, %broadcast_in_dim3A_202, %broadcast_in_dim3A_203 : vector<128x4096xi1>, vector<128x4096xi32>
    %reduce_sum3A_205 = arith.constant dense<0> : vector<4096xi32>
    %reduce_sum3A_206 = vector.multi_reduction <add>, %select_n3A_204, %reduce_sum3A_205 [0] : vector<128x4096xi32> to vector<4096xi32>
    %broadcast_in_dim3A_207 = vector.shape_cast %reduce_sum3A_206 : vector<4096xi32> to vector<1x4096xi32>
    %eq3A_208 = arith.cmpi eq, %broadcast_in_dim3A_207, %iota3A_166 : vector<1x4096xi32>
    %convert_element_type3A_209 = arith.extui %eq3A_208 : vector<1x4096xi1> to vector<1x4096xi32>
    %swap3A_210 = arith.constant 0 : index
    %swap3A_211 = arith.constant 0 : index
    %swap3A_212 = vector.load %arg4[%swap3A_210, %swap3A_211] : memref<1x4096xi32, #tpu.memory_space<vmem>>, vector<1x4096xi32>
    tpu.vector_store %arg4[%swap3A_210, %swap3A_211], %convert_element_type3A_209 {strides = array<i32>} : memref<1x4096xi32, #tpu.memory_space<vmem>>, vector<1x4096xi32>,
    %jit3A_213 = arith.constant 0 : i32
    %broadcast_in_dim3A_214 = vector.shape_cast %broadcast_in_dim3A_23 : vector<128x1xi32> to vector<128x1xi32>
    %broadcast_in_dim3A_215 = vector.broadcast %broadcast_in_dim3A_214 : vector<128x1xi32> to vector<128x4096xi32>
    %broadcast_in_dim3A_216 = vector.broadcast %jit3A_213 : i32 to vector<128x4096xi32>
    %select_n3A_217 = arith.select %eq3A_8, %broadcast_in_dim3A_215, %broadcast_in_dim3A_216 : vector<128x4096xi1>, vector<128x4096xi32>
    %reduce_sum3A_218 = arith.constant dense<0> : vector<4096xi32>
    %reduce_sum3A_219 = vector.multi_reduction <add>, %select_n3A_217, %reduce_sum3A_218 [0] : vector<128x4096xi32> to vector<4096xi32>
    %broadcast_in_dim3A_220 = vector.shape_cast %reduce_sum3A_219 : vector<4096xi32> to vector<1x4096xi32>
    %select_n3A_221 = arith.select %eq3A_208, %broadcast_in_dim3A_220, %broadcast_in_dim3A_207 : vector<1x4096xi1>, vector<1x4096xi32>
    %swap3A_222 = arith.constant 0 : index
    %swap3A_223 = arith.constant 0 : index
    %swap3A_224 = vector.load %arg2[%swap3A_222, %swap3A_223] : memref<1x4096xi32, #tpu.memory_space<vmem>>, vector<1x4096xi32>
    tpu.vector_store %arg2[%swap3A_222, %swap3A_223], %select_n3A_221 {strides = array<i32>} : memref<1x4096xi32, #tpu.memory_space<vmem>>, vector<1x4096xi32>,
    %jit3A_225 = arith.constant 0 : i32
    %broadcast_in_dim3A_226 = vector.shape_cast %broadcast_in_dim3A_13 : vector<128x1xi32> to vector<128x1xi32>
    %broadcast_in_dim3A_227 = vector.broadcast %broadcast_in_dim3A_226 : vector<128x1xi32> to vector<128x4096xi32>
    %broadcast_in_dim3A_228 = vector.broadcast %jit3A_225 : i32 to vector<128x4096xi32>
    %select_n3A_229 = arith.select %eq3A_6, %broadcast_in_dim3A_227, %broadcast_in_dim3A_228 : vector<128x4096xi1>, vector<128x4096xi32>
    %reduce_sum3A_230 = arith.constant dense<0> : vector<4096xi32>
    %reduce_sum3A_231 = vector.multi_reduction <add>, %select_n3A_229, %reduce_sum3A_230 [0] : vector<128x4096xi32> to vector<4096xi32>
    %broadcast_in_dim3A_232 = vector.shape_cast %reduce_sum3A_231 : vector<4096xi32> to vector<1x4096xi32>
    %reduce_max3A_233 = vector.shape_cast %broadcast_in_dim3A_232 : vector<1x4096xi32> to vector<1x1x4096xi32>
    %reduce_max3A_234 = arith.constant dense<-2147483648> : vector<1xi32>
    %reduce_max3A_235 = vector.multi_reduction <maxsi>, %reduce_max3A_233, %reduce_max3A_234 [1, 2] : vector<1x1x4096xi32> to vector<1xi32>
    %reduce_max3A_236 = vector.shape_cast %reduce_max3A_235 : vector<1xi32> to vector<1x1x1xi32>
    %reduce_max3A_237 = vector.extract %reduce_max3A_236[0, 0, 0] : i32 from vector<1x1x1xi32>
    %sub3A_238 = arith.constant 4096 : i32
    %sub3A_239 = arith.subi %sub3A_238, %reduce_max3A_237 : i32
    %add3A_240 = arith.constant 1 : i32
    %add3A_241 = arith.addi %sub3A_239, %add3A_240 : i32
    %eq3A_242 = vector.broadcast %add3A_241 : i32 to vector<128x4096xi32>
    %eq3A_243 = arith.cmpi eq, %add3A_165, %eq3A_242 : vector<128x4096xi32>
    %jit3A_244 = arith.constant 4096 : i32
    %broadcast_in_dim3A_245 = vector.broadcast %jit3A_244 : i32 to vector<128x4096xi32>
    %select_n3A_246 = arith.select %eq3A_243, %iota3A_5, %broadcast_in_dim3A_245 : vector<128x4096xi1>, vector<128x4096xi32>
    %reduce_min3A_247 = arith.constant dense<2147483647> : vector<128xi32>
    %reduce_min3A_248 = vector.multi_reduction <minsi>, %select_n3A_246, %reduce_min3A_247 [1] : vector<128x4096xi32> to vector<128xi32>
    %broadcast_in_dim3A_249 = vector.shape_cast %reduce_min3A_248 : vector<128xi32> to vector<128x1xi32>
    %jit3A_250 = arith.constant 0 : i32
    %broadcast_in_dim3A_251 = vector.shape_cast %broadcast_in_dim3A_249 : vector<128x1xi32> to vector<128x1xi32>
    %broadcast_in_dim3A_252 = vector.broadcast %broadcast_in_dim3A_251 : vector<128x1xi32> to vector<128x4096xi32>
    %broadcast_in_dim3A_253 = vector.broadcast %jit3A_250 : i32 to vector<128x4096xi32>
    %select_n3A_254 = arith.select %eq3A_6, %broadcast_in_dim3A_252, %broadcast_in_dim3A_253 : vector<128x4096xi1>, vector<128x4096xi32>
    %reduce_sum3A_255 = arith.constant dense<0> : vector<4096xi32>
    %reduce_sum3A_256 = vector.multi_reduction <add>, %select_n3A_254, %reduce_sum3A_255 [0] : vector<128x4096xi32> to vector<4096xi32>
    %broadcast_in_dim3A_257 = vector.shape_cast %reduce_sum3A_256 : vector<4096xi32> to vector<1x4096xi32>
    %swap3A_258 = arith.constant 0 : index
    %swap3A_259 = arith.constant 0 : index
    %swap3A_260 = vector.load %arg6[%swap3A_258, %swap3A_259] : memref<1x4096xi32, #tpu.memory_space<vmem>>, vector<1x4096xi32>
    tpu.vector_store %arg6[%swap3A_258, %swap3A_259], %broadcast_in_dim3A_257 {strides = array<i32>} : memref<1x4096xi32, #tpu.memory_space<vmem>>, vector<1x4096xi32>,
    %jit3A_261 = arith.constant 0 : i32
    %broadcast_in_dim3A_262 = vector.shape_cast %broadcast_in_dim3A_29 : vector<128x1xi32> to vector<128x1xi32>
    %broadcast_in_dim3A_263 = vector.broadcast %broadcast_in_dim3A_262 : vector<128x1xi32> to vector<128x4096xi32>
    %broadcast_in_dim3A_264 = vector.broadcast %jit3A_261 : i32 to vector<128x4096xi32>
    %select_n3A_265 = arith.select %eq3A_6, %broadcast_in_dim3A_263, %broadcast_in_dim3A_264 : vector<128x4096xi1>, vector<128x4096xi32>
    %reduce_sum3A_266 = arith.constant dense<0> : vector<4096xi32>
    %reduce_sum3A_267 = vector.multi_reduction <add>, %select_n3A_265, %reduce_sum3A_266 [0] : vector<128x4096xi32> to vector<4096xi32>
    %broadcast_in_dim3A_268 = vector.shape_cast %reduce_sum3A_267 : vector<4096xi32> to vector<1x4096xi32>
    %eq3A_269 = arith.cmpi eq, %broadcast_in_dim3A_268, %iota3A_166 : vector<1x4096xi32>
    %convert_element_type3A_270 = arith.extui %eq3A_269 : vector<1x4096xi1> to vector<1x4096xi32>
    %swap3A_271 = arith.constant 0 : index
    %swap3A_272 = arith.constant 0 : index
    %swap3A_273 = vector.load %arg7[%swap3A_271, %swap3A_272] : memref<1x4096xi32, #tpu.memory_space<vmem>>, vector<1x4096xi32>
    tpu.vector_store %arg7[%swap3A_271, %swap3A_272], %convert_element_type3A_270 {strides = array<i32>} : memref<1x4096xi32, #tpu.memory_space<vmem>>, vector<1x4096xi32>,
    %jit3A_274 = arith.constant 0 : i32
    %broadcast_in_dim3A_275 = vector.shape_cast %broadcast_in_dim3A_38 : vector<128x1xi32> to vector<128x1xi32>
    %broadcast_in_dim3A_276 = vector.broadcast %broadcast_in_dim3A_275 : vector<128x1xi32> to vector<128x4096xi32>
    %broadcast_in_dim3A_277 = vector.broadcast %jit3A_274 : i32 to vector<128x4096xi32>
    %select_n3A_278 = arith.select %eq3A_6, %broadcast_in_dim3A_276, %broadcast_in_dim3A_277 : vector<128x4096xi1>, vector<128x4096xi32>
    %reduce_sum3A_279 = arith.constant dense<0> : vector<4096xi32>
    %reduce_sum3A_280 = vector.multi_reduction <add>, %select_n3A_278, %reduce_sum3A_279 [0] : vector<128x4096xi32> to vector<4096xi32>
    %broadcast_in_dim3A_281 = vector.shape_cast %reduce_sum3A_280 : vector<4096xi32> to vector<1x4096xi32>
    %select_n3A_282 = arith.select %eq3A_269, %broadcast_in_dim3A_281, %broadcast_in_dim3A_268 : vector<1x4096xi1>, vector<1x4096xi32>
    %swap3A_283 = arith.constant 0 : index
    %swap3A_284 = arith.constant 0 : index
    %swap3A_285 = vector.load %arg5[%swap3A_283, %swap3A_284] : memref<1x4096xi32, #tpu.memory_space<vmem>>, vector<1x4096xi32>
    tpu.vector_store %arg5[%swap3A_283, %swap3A_284], %select_n3A_282 {strides = array<i32>} : memref<1x4096xi32, #tpu.memory_space<vmem>>, vector<1x4096xi32>,
    return
  }
}

module attributes {stable_mosaic.version = 14 : i64} {
  func.func @_mining_idx_body(%arg0: memref<1x4096xi32, #tpu.memory_space<vmem>>, %arg1: memref<1x4096xi32, #tpu.memory_space<vmem>>, %arg2: memref<128x1xi32, #tpu.memory_space<vmem>>, %arg3: memref<128x1xi32, #tpu.memory_space<vmem>>, %arg4: memref<128x1xi32, #tpu.memory_space<vmem>>, %arg5: memref<128x1xi32, #tpu.memory_space<vmem>>) attributes {dimension_semantics = [], scalar_prefetch = 0 : i64, scratch_operands = 0 : i64, tpu.core_type = #tpu.core_type<tc>} {
    %get3A = arith.constant 0 : index
    %get3A_0 = arith.constant 0 : index
    %get3A_1 = vector.load %arg0[%get3A, %get3A_0] : memref<1x4096xi32, #tpu.memory_space<vmem>>, vector<1x4096xi32>
    %get3A_2 = arith.constant 0 : index
    %get3A_3 = arith.constant 0 : index
    %get3A_4 = vector.load %arg1[%get3A_2, %get3A_3] : memref<1x4096xi32, #tpu.memory_space<vmem>>, vector<1x4096xi32>
    %iota3A = tpu.iota {dimensions = array<i32: 0>} : vector<128x4096xi32>
    %iota3A_5 = tpu.iota {dimensions = array<i32: 1>} : vector<128x4096xi32>
    %eq3A = vector.broadcast %get3A_1 : vector<1x4096xi32> to vector<128x4096xi32>
    %eq3A_6 = arith.cmpi eq, %eq3A, %iota3A : vector<128x4096xi32>
    %eq3A_7 = vector.broadcast %get3A_4 : vector<1x4096xi32> to vector<128x4096xi32>
    %eq3A_8 = arith.cmpi eq, %eq3A_7, %iota3A : vector<128x4096xi32>
    %jit3A = arith.constant 4096 : i32
    %broadcast_in_dim3A = vector.broadcast %jit3A : i32 to vector<128x4096xi32>
    %select_n3A = arith.select %eq3A_6, %iota3A_5, %broadcast_in_dim3A : vector<128x4096xi1>, vector<128x4096xi32>
    %reduce_min3A = arith.constant dense<2147483647> : vector<128xi32>
    %reduce_min3A_9 = vector.multi_reduction <minsi>, %select_n3A, %reduce_min3A [1] : vector<128x4096xi32> to vector<128xi32>
    %broadcast_in_dim3A_10 = vector.shape_cast %reduce_min3A_9 : vector<128xi32> to vector<128x1xi32>
    %ne3A = vector.broadcast %broadcast_in_dim3A_10 : vector<128x1xi32> to vector<128x4096xi32>
    %ne3A_11 = arith.cmpi ne, %iota3A_5, %ne3A : vector<128x4096xi32>
    %and3A = arith.andi %eq3A_6, %ne3A_11 : vector<128x4096xi1>
    %jit3A_12 = arith.constant 4096 : i32
    %broadcast_in_dim3A_13 = vector.broadcast %jit3A_12 : i32 to vector<128x4096xi32>
    %select_n3A_14 = arith.select %and3A, %iota3A_5, %broadcast_in_dim3A_13 : vector<128x4096xi1>, vector<128x4096xi32>
    %reduce_min3A_15 = arith.constant dense<2147483647> : vector<128xi32>
    %reduce_min3A_16 = vector.multi_reduction <minsi>, %select_n3A_14, %reduce_min3A_15 [1] : vector<128x4096xi32> to vector<128xi32>
    %broadcast_in_dim3A_17 = vector.shape_cast %reduce_min3A_16 : vector<128xi32> to vector<128x1xi32>
    %jit3A_18 = arith.constant 4096 : i32
    %broadcast_in_dim3A_19 = vector.broadcast %jit3A_18 : i32 to vector<128x4096xi32>
    %select_n3A_20 = arith.select %eq3A_8, %iota3A_5, %broadcast_in_dim3A_19 : vector<128x4096xi1>, vector<128x4096xi32>
    %reduce_min3A_21 = arith.constant dense<2147483647> : vector<128xi32>
    %reduce_min3A_22 = vector.multi_reduction <minsi>, %select_n3A_20, %reduce_min3A_21 [1] : vector<128x4096xi32> to vector<128xi32>
    %broadcast_in_dim3A_23 = vector.shape_cast %reduce_min3A_22 : vector<128xi32> to vector<128x1xi32>
    %ne3A_24 = vector.broadcast %broadcast_in_dim3A_23 : vector<128x1xi32> to vector<128x4096xi32>
    %ne3A_25 = arith.cmpi ne, %iota3A_5, %ne3A_24 : vector<128x4096xi32>
    %and3A_26 = arith.andi %eq3A_8, %ne3A_25 : vector<128x4096xi1>
    %jit3A_27 = arith.constant 4096 : i32
    %broadcast_in_dim3A_28 = vector.broadcast %jit3A_27 : i32 to vector<128x4096xi32>
    %select_n3A_29 = arith.select %and3A_26, %iota3A_5, %broadcast_in_dim3A_28 : vector<128x4096xi1>, vector<128x4096xi32>
    %reduce_min3A_30 = arith.constant dense<2147483647> : vector<128xi32>
    %reduce_min3A_31 = vector.multi_reduction <minsi>, %select_n3A_29, %reduce_min3A_30 [1] : vector<128x4096xi32> to vector<128xi32>
    %broadcast_in_dim3A_32 = vector.shape_cast %reduce_min3A_31 : vector<128xi32> to vector<128x1xi32>
    %min3A = arith.constant 4095 : i32
    %min3A_33 = vector.broadcast %min3A : i32 to vector<128x1xi32>
    %min3A_34 = arith.minsi %broadcast_in_dim3A_10, %min3A_33 : vector<128x1xi32>
    %swap3A = arith.constant 0 : index
    %swap3A_35 = arith.constant 0 : index
    %swap3A_36 = vector.load %arg2[%swap3A, %swap3A_35] : memref<128x1xi32, #tpu.memory_space<vmem>>, vector<128x1xi32>
    tpu.vector_store %arg2[%swap3A, %swap3A_35], %min3A_34 {strides = array<i32>} : memref<128x1xi32, #tpu.memory_space<vmem>>, vector<128x1xi32>,
    %min3A_37 = arith.constant 4095 : i32
    %min3A_38 = vector.broadcast %min3A_37 : i32 to vector<128x1xi32>
    %min3A_39 = arith.minsi %broadcast_in_dim3A_17, %min3A_38 : vector<128x1xi32>
    %swap3A_40 = arith.constant 0 : index
    %swap3A_41 = arith.constant 0 : index
    %swap3A_42 = vector.load %arg3[%swap3A_40, %swap3A_41] : memref<128x1xi32, #tpu.memory_space<vmem>>, vector<128x1xi32>
    tpu.vector_store %arg3[%swap3A_40, %swap3A_41], %min3A_39 {strides = array<i32>} : memref<128x1xi32, #tpu.memory_space<vmem>>, vector<128x1xi32>,
    %min3A_43 = arith.constant 4095 : i32
    %min3A_44 = vector.broadcast %min3A_43 : i32 to vector<128x1xi32>
    %min3A_45 = arith.minsi %broadcast_in_dim3A_23, %min3A_44 : vector<128x1xi32>
    %swap3A_46 = arith.constant 0 : index
    %swap3A_47 = arith.constant 0 : index
    %swap3A_48 = vector.load %arg4[%swap3A_46, %swap3A_47] : memref<128x1xi32, #tpu.memory_space<vmem>>, vector<128x1xi32>
    tpu.vector_store %arg4[%swap3A_46, %swap3A_47], %min3A_45 {strides = array<i32>} : memref<128x1xi32, #tpu.memory_space<vmem>>, vector<128x1xi32>,
    %min3A_49 = arith.constant 4095 : i32
    %min3A_50 = vector.broadcast %min3A_49 : i32 to vector<128x1xi32>
    %min3A_51 = arith.minsi %broadcast_in_dim3A_32, %min3A_50 : vector<128x1xi32>
    %swap3A_52 = arith.constant 0 : index
    %swap3A_53 = arith.constant 0 : index
    %swap3A_54 = vector.load %arg5[%swap3A_52, %swap3A_53] : memref<128x1xi32, #tpu.memory_space<vmem>>, vector<128x1xi32>
    tpu.vector_store %arg5[%swap3A_52, %swap3A_53], %min3A_51 {strides = array<i32>} : memref<128x1xi32, #tpu.memory_space<vmem>>, vector<128x1xi32>,
    return
  }
}

module attributes {stable_mosaic.version = 14 : i64} {
  func.func @_prep_body(%arg0: i32, %arg1: memref<1024x1024xf32, #tpu.memory_space<vmem>>, %arg2: memref<1024x1024xf32, #tpu.memory_space<vmem>>, %arg3: memref<128x1024xf32, #tpu.memory_space<vmem>>, %arg4: memref<128x1024xf32, #tpu.memory_space<vmem>>, %arg5: memref<128x1024xf32, #tpu.memory_space<vmem>>, %arg6: memref<128x1024xf32, #tpu.memory_space<vmem>>, %arg7: memref<1x1x1024xi32, #tpu.memory_space<vmem>>, %arg8: memref<1x1x1024xi32, #tpu.memory_space<vmem>>, %arg9: memref<1x1x1024xi32, #tpu.memory_space<vmem>>, %arg10: memref<1x1x1024xi32, #tpu.memory_space<vmem>>, %arg11: memref<1x1x1024xi32, #tpu.memory_space<vmem>>, %arg12: memref<1x1x1024xi32, #tpu.memory_space<vmem>>, %arg13: memref<1x1x1024xf32, #tpu.memory_space<vmem>>, %arg14: memref<1x1x1024xf32, #tpu.memory_space<vmem>>, %arg15: memref<1x1x1024xf32, #tpu.memory_space<vmem>>) attributes {dimension_semantics = [#tpu.dimension_semantics<arbitrary>], iteration_bounds = array<i64: 4>, scalar_prefetch = 0 : i64, scratch_operands = 0 : i64, tpu.core_type = #tpu.core_type<tc>, window_params = [{transform_indices = @transform_0, window_bounds = array<i64: 1024, 1024>}, {transform_indices = @transform_1, window_bounds = array<i64: 1024, 1024>}, {pipeline_mode = #tpu.pipeline_mode<synchronous>, transform_indices = @transform_2, window_bounds = array<i64: 128, 1024>}, {pipeline_mode = #tpu.pipeline_mode<synchronous>, transform_indices = @transform_3, window_bounds = array<i64: 128, 1024>}, {pipeline_mode = #tpu.pipeline_mode<synchronous>, transform_indices = @transform_4, window_bounds = array<i64: 128, 1024>}, {pipeline_mode = #tpu.pipeline_mode<synchronous>, transform_indices = @transform_5, window_bounds = array<i64: 128, 1024>}, {transform_indices = @transform_6, window_bounds = array<i64: 1, 1, 1024>}, {transform_indices = @transform_7, window_bounds = array<i64: 1, 1, 1024>}, {transform_indices = @transform_8, window_bounds = array<i64: 1, 1, 1024>}, {transform_indices = @transform_9, window_bounds = array<i64: 1, 1, 1024>}, {transform_indices = @transform_10, window_bounds = array<i64: 1, 1, 1024>}, {transform_indices = @transform_11, window_bounds = array<i64: 1, 1, 1024>}, {transform_indices = @transform_12, window_bounds = array<i64: 1, 1, 1024>}, {transform_indices = @transform_13, window_bounds = array<i64: 1, 1, 1024>}, {transform_indices = @transform_14, window_bounds = array<i64: 1, 1, 1024>}]} {
    %get3A = arith.constant 0 : index
    %get3A_0 = arith.constant 0 : index
    %get3A_1 = vector.load %arg1[%get3A, %get3A_0] : memref<1024x1024xf32, #tpu.memory_space<vmem>>, vector<1024x1024xf32>
    %get3A_2 = arith.constant 0 : index
    %get3A_3 = arith.constant 0 : index
    %get3A_4 = vector.load %arg2[%get3A_2, %get3A_3] : memref<1024x1024xf32, #tpu.memory_space<vmem>>, vector<1024x1024xf32>
    %mul3A = arith.mulf %get3A_1, %get3A_4 : vector<1024x1024xf32>
    %reduce_sum3A = arith.constant dense<0.000000e+00> : vector<1024xf32>
    %reduce_sum3A_5 = vector.multi_reduction <add>, %mul3A, %reduce_sum3A [1] : vector<1024x1024xf32> to vector<1024xf32>
    %sub3A = arith.constant 1.000000e+00 : f32
    %sub3A_6 = vector.broadcast %sub3A : f32 to vector<1024xf32>
    %sub3A_7 = arith.subf %sub3A_6, %reduce_sum3A_5 : vector<1024xf32>
    %swap3A = arith.constant 0 : index
    %swap3A_8 = arith.constant 0 : index
    %swap3A_9 = arith.constant 0 : index
    %swap3A_10 = vector.load %arg13[%swap3A, %swap3A_8, %swap3A_9] : memref<1x1x1024xf32, #tpu.memory_space<vmem>>, vector<1x1x1024xf32>
    %swap3A_11 = vector.shape_cast %swap3A_10 : vector<1x1x1024xf32> to vector<1024xf32>
    %swap3A_12 = vector.shape_cast %sub3A_7 : vector<1024xf32> to vector<1x1x1024xf32>
    tpu.vector_store %arg13[%swap3A, %swap3A_8, %swap3A_9], %swap3A_12 {strides = array<i32>} : memref<1x1x1024xf32, #tpu.memory_space<vmem>>, vector<1x1x1024xf32>,
    %iota3A = tpu.iota {dimensions = array<i32: 1>} : vector<1024x128xi32>
    %get3A_13 = arith.constant 0 : index
    %get3A_14 = arith.constant 0 : index
    %get3A_15 = vector.load %arg3[%get3A_13, %get3A_14] : memref<128x1024xf32, #tpu.memory_space<vmem>>, vector<128x1024xf32>
    %dot_general3A = arith.constant dense<0.000000e+00> : vector<1024x128xf32>
    %dot_general3A_16 = tpu.matmul %get3A_1, %get3A_15, %dot_general3A {dimension_numbers = #tpu.dot_dimension_numbers<[1], [1], [0], [0], [0, 0, 1, 0], [], []>, transpose_lhs_hint = false} : vector<1024x1024xf32>, vector<128x1024xf32>, vector<1024x128xf32> -> vector<1024x128xf32>
    %get3A_17 = arith.constant 0 : index
    %get3A_18 = arith.constant 0 : index
    %get3A_19 = vector.load %arg4[%get3A_17, %get3A_18] : memref<128x1024xf32, #tpu.memory_space<vmem>>, vector<128x1024xf32>
    %dot_general3A_20 = arith.constant dense<0.000000e+00> : vector<1024x128xf32>
    %dot_general3A_21 = tpu.matmul %get3A_1, %get3A_19, %dot_general3A_20 {dimension_numbers = #tpu.dot_dimension_numbers<[1], [1], [0], [0], [0, 0, 1, 0], [], []>, transpose_lhs_hint = false} : vector<1024x1024xf32>, vector<128x1024xf32>, vector<1024x128xf32> -> vector<1024x128xf32>
    %get3A_22 = arith.constant 0 : index
    %get3A_23 = arith.constant 0 : index
    %get3A_24 = arith.constant 0 : index
    %get3A_25 = vector.load %arg9[%get3A_22, %get3A_23, %get3A_24] : memref<1x1x1024xi32, #tpu.memory_space<vmem>>, vector<1x1x1024xi32>
    %get3A_26 = vector.shape_cast %get3A_25 : vector<1x1x1024xi32> to vector<1024xi32>
    %broadcast_in_dim3A = vector.shape_cast %get3A_26 : vector<1024xi32> to vector<1024x1xi32>
    %eq3A = vector.broadcast %broadcast_in_dim3A : vector<1024x1xi32> to vector<1024x128xi32>
    %eq3A_27 = arith.cmpi eq, %eq3A, %iota3A : vector<1024x128xi32>
    %get3A_28 = arith.constant 0 : index
    %get3A_29 = arith.constant 0 : index
    %get3A_30 = arith.constant 0 : index
    %get3A_31 = vector.load %arg8[%get3A_28, %get3A_29, %get3A_30] : memref<1x1x1024xi32, #tpu.memory_space<vmem>>, vector<1x1x1024xi32>
    %get3A_32 = vector.shape_cast %get3A_31 : vector<1x1x1024xi32> to vector<1024xi32>
    %eq3A_33 = arith.constant 1 : i32
    %eq3A_34 = vector.broadcast %eq3A_33 : i32 to vector<1024xi32>
    %eq3A_35 = arith.cmpi eq, %get3A_32, %eq3A_34 : vector<1024xi32>
    %jit3A = arith.constant 0.000000e+00 : f32
    %broadcast_in_dim3A_36 = vector.broadcast %jit3A : f32 to vector<1024x128xf32>
    %select_n3A = arith.select %eq3A_27, %dot_general3A_21, %broadcast_in_dim3A_36 : vector<1024x128xi1>, vector<1024x128xf32>
    %reduce_sum3A_37 = arith.constant dense<0.000000e+00> : vector<1024xf32>
    %reduce_sum3A_38 = vector.multi_reduction <add>, %select_n3A, %reduce_sum3A_37 [1] : vector<1024x128xf32> to vector<1024xf32>
    %jit3A_39 = arith.constant 0.000000e+00 : f32
    %broadcast_in_dim3A_40 = vector.broadcast %jit3A_39 : f32 to vector<1024x128xf32>
    %select_n3A_41 = arith.select %eq3A_27, %dot_general3A_16, %broadcast_in_dim3A_40 : vector<1024x128xi1>, vector<1024x128xf32>
    %reduce_sum3A_42 = arith.constant dense<0.000000e+00> : vector<1024xf32>
    %reduce_sum3A_43 = vector.multi_reduction <add>, %select_n3A_41, %reduce_sum3A_42 [1] : vector<1024x128xf32> to vector<1024xf32>
    %select_n3A_44 = arith.select %eq3A_35, %reduce_sum3A_38, %reduce_sum3A_43 : vector<1024xi1>, vector<1024xf32>
    %get3A_45 = arith.constant 0 : index
    %get3A_46 = arith.constant 0 : index
    %get3A_47 = arith.constant 0 : index
    %get3A_48 = vector.load %arg7[%get3A_45, %get3A_46, %get3A_47] : memref<1x1x1024xi32, #tpu.memory_space<vmem>>, vector<1x1x1024xi32>
    %get3A_49 = vector.shape_cast %get3A_48 : vector<1x1x1024xi32> to vector<1024xi32>
    %lt3A = arith.constant 4096 : i32
    %lt3A_50 = vector.broadcast %lt3A : i32 to vector<1024xi32>
    %lt3A_51 = arith.cmpi slt, %get3A_49, %lt3A_50 : vector<1024xi32>
    %sub3A_52 = arith.constant 1.000000e+00 : f32
    %sub3A_53 = vector.broadcast %sub3A_52 : f32 to vector<1024xf32>
    %sub3A_54 = arith.subf %sub3A_53, %select_n3A_44 : vector<1024xf32>
    %jit3A_55 = arith.constant 0.000000e+00 : f32
    %broadcast_in_dim3A_56 = vector.broadcast %jit3A_55 : f32 to vector<1024xf32>
    %select_n3A_57 = arith.select %lt3A_51, %sub3A_54, %broadcast_in_dim3A_56 : vector<1024xi1>, vector<1024xf32>
    %swap3A_58 = arith.constant 0 : index
    %swap3A_59 = arith.constant 0 : index
    %swap3A_60 = arith.constant 0 : index
    %swap3A_61 = vector.load %arg14[%swap3A_58, %swap3A_59, %swap3A_60] : memref<1x1x1024xf32, #tpu.memory_space<vmem>>, vector<1x1x1024xf32>
    %swap3A_62 = vector.shape_cast %swap3A_61 : vector<1x1x1024xf32> to vector<1024xf32>
    %swap3A_63 = vector.shape_cast %select_n3A_57 : vector<1024xf32> to vector<1x1x1024xf32>
    tpu.vector_store %arg14[%swap3A_58, %swap3A_59, %swap3A_60], %swap3A_63 {strides = array<i32>} : memref<1x1x1024xf32, #tpu.memory_space<vmem>>, vector<1x1x1024xf32>,
    %get3A_64 = arith.constant 0 : index
    %get3A_65 = arith.constant 0 : index
    %get3A_66 = vector.load %arg5[%get3A_64, %get3A_65] : memref<128x1024xf32, #tpu.memory_space<vmem>>, vector<128x1024xf32>
    %dot_general3A_67 = arith.constant dense<0.000000e+00> : vector<1024x128xf32>
    %dot_general3A_68 = tpu.matmul %get3A_4, %get3A_66, %dot_general3A_67 {dimension_numbers = #tpu.dot_dimension_numbers<[1], [1], [0], [0], [0, 0, 1, 0], [], []>, transpose_lhs_hint = false} : vector<1024x1024xf32>, vector<128x1024xf32>, vector<1024x128xf32> -> vector<1024x128xf32>
    %get3A_69 = arith.constant 0 : index
    %get3A_70 = arith.constant 0 : index
    %get3A_71 = vector.load %arg6[%get3A_69, %get3A_70] : memref<128x1024xf32, #tpu.memory_space<vmem>>, vector<128x1024xf32>
    %dot_general3A_72 = arith.constant dense<0.000000e+00> : vector<1024x128xf32>
    %dot_general3A_73 = tpu.matmul %get3A_4, %get3A_71, %dot_general3A_72 {dimension_numbers = #tpu.dot_dimension_numbers<[1], [1], [0], [0], [0, 0, 1, 0], [], []>, transpose_lhs_hint = false} : vector<1024x1024xf32>, vector<128x1024xf32>, vector<1024x128xf32> -> vector<1024x128xf32>
    %get3A_74 = arith.constant 0 : index
    %get3A_75 = arith.constant 0 : index
    %get3A_76 = arith.constant 0 : index
    %get3A_77 = vector.load %arg12[%get3A_74, %get3A_75, %get3A_76] : memref<1x1x1024xi32, #tpu.memory_space<vmem>>, vector<1x1x1024xi32>
    %get3A_78 = vector.shape_cast %get3A_77 : vector<1x1x1024xi32> to vector<1024xi32>
    %broadcast_in_dim3A_79 = vector.shape_cast %get3A_78 : vector<1024xi32> to vector<1024x1xi32>
    %eq3A_80 = vector.broadcast %broadcast_in_dim3A_79 : vector<1024x1xi32> to vector<1024x128xi32>
    %eq3A_81 = arith.cmpi eq, %eq3A_80, %iota3A : vector<1024x128xi32>
    %get3A_82 = arith.constant 0 : index
    %get3A_83 = arith.constant 0 : index
    %get3A_84 = arith.constant 0 : index
    %get3A_85 = vector.load %arg11[%get3A_82, %get3A_83, %get3A_84] : memref<1x1x1024xi32, #tpu.memory_space<vmem>>, vector<1x1x1024xi32>
    %get3A_86 = vector.shape_cast %get3A_85 : vector<1x1x1024xi32> to vector<1024xi32>
    %eq3A_87 = arith.constant 1 : i32
    %eq3A_88 = vector.broadcast %eq3A_87 : i32 to vector<1024xi32>
    %eq3A_89 = arith.cmpi eq, %get3A_86, %eq3A_88 : vector<1024xi32>
    %jit3A_90 = arith.constant 0.000000e+00 : f32
    %broadcast_in_dim3A_91 = vector.broadcast %jit3A_90 : f32 to vector<1024x128xf32>
    %select_n3A_92 = arith.select %eq3A_81, %dot_general3A_73, %broadcast_in_dim3A_91 : vector<1024x128xi1>, vector<1024x128xf32>
    %reduce_sum3A_93 = arith.constant dense<0.000000e+00> : vector<1024xf32>
    %reduce_sum3A_94 = vector.multi_reduction <add>, %select_n3A_92, %reduce_sum3A_93 [1] : vector<1024x128xf32> to vector<1024xf32>
    %jit3A_95 = arith.constant 0.000000e+00 : f32
    %broadcast_in_dim3A_96 = vector.broadcast %jit3A_95 : f32 to vector<1024x128xf32>
    %select_n3A_97 = arith.select %eq3A_81, %dot_general3A_68, %broadcast_in_dim3A_96 : vector<1024x128xi1>, vector<1024x128xf32>
    %reduce_sum3A_98 = arith.constant dense<0.000000e+00> : vector<1024xf32>
    %reduce_sum3A_99 = vector.multi_reduction <add>, %select_n3A_97, %reduce_sum3A_98 [1] : vector<1024x128xf32> to vector<1024xf32>
    %select_n3A_100 = arith.select %eq3A_89, %reduce_sum3A_94, %reduce_sum3A_99 : vector<1024xi1>, vector<1024xf32>
    %get3A_101 = arith.constant 0 : index
    %get3A_102 = arith.constant 0 : index
    %get3A_103 = arith.constant 0 : index
    %get3A_104 = vector.load %arg10[%get3A_101, %get3A_102, %get3A_103] : memref<1x1x1024xi32, #tpu.memory_space<vmem>>, vector<1x1x1024xi32>
    %get3A_105 = vector.shape_cast %get3A_104 : vector<1x1x1024xi32> to vector<1024xi32>
    %lt3A_106 = arith.constant 4096 : i32
    %lt3A_107 = vector.broadcast %lt3A_106 : i32 to vector<1024xi32>
    %lt3A_108 = arith.cmpi slt, %get3A_105, %lt3A_107 : vector<1024xi32>
    %sub3A_109 = arith.constant 1.000000e+00 : f32
    %sub3A_110 = vector.broadcast %sub3A_109 : f32 to vector<1024xf32>
    %sub3A_111 = arith.subf %sub3A_110, %select_n3A_100 : vector<1024xf32>
    %jit3A_112 = arith.constant 0.000000e+00 : f32
    %broadcast_in_dim3A_113 = vector.broadcast %jit3A_112 : f32 to vector<1024xf32>
    %select_n3A_114 = arith.select %lt3A_108, %sub3A_111, %broadcast_in_dim3A_113 : vector<1024xi1>, vector<1024xf32>
    %swap3A_115 = arith.constant 0 : index
    %swap3A_116 = arith.constant 0 : index
    %swap3A_117 = arith.constant 0 : index
    %swap3A_118 = vector.load %arg15[%swap3A_115, %swap3A_116, %swap3A_117] : memref<1x1x1024xf32, #tpu.memory_space<vmem>>, vector<1x1x1024xf32>
    %swap3A_119 = vector.shape_cast %swap3A_118 : vector<1x1x1024xf32> to vector<1024xf32>
    %swap3A_120 = vector.shape_cast %select_n3A_114 : vector<1024xf32> to vector<1x1x1024xf32>
    tpu.vector_store %arg15[%swap3A_115, %swap3A_116, %swap3A_117], %swap3A_120 {strides = array<i32>} : memref<1x1x1024xf32, #tpu.memory_space<vmem>>, vector<1x1x1024xf32>,
    return
  }
  func.func @transform_0(%arg0: i32) -> (i32, i32) {
    %c0_i32 = arith.constant 0 : i32
    %c0_i32_0 = arith.constant 0 : i32
    return %arg0, %c0_i32 : i32, i32
  }
  func.func @transform_1(%arg0: i32) -> (i32, i32) {
    %c0_i32 = arith.constant 0 : i32
    %c0_i32_0 = arith.constant 0 : i32
    return %arg0, %c0_i32 : i32, i32
  }
  func.func @transform_2(%arg0: i32) -> (i32, i32) {
    %c0_i32 = arith.constant 0 : i32
    %c0_i32_0 = arith.constant 0 : i32
    %c0_i32_1 = arith.constant 0 : i32
    return %c0_i32, %c0_i32_0 : i32, i32
  }
  func.func @transform_3(%arg0: i32) -> (i32, i32) {
    %c0_i32 = arith.constant 0 : i32
    %c0_i32_0 = arith.constant 0 : i32
    %c0_i32_1 = arith.constant 0 : i32
    return %c0_i32, %c0_i32_0 : i32, i32
  }
  func.func @transform_4(%arg0: i32) -> (i32, i32) {
    %c0_i32 = arith.constant 0 : i32
    %c0_i32_0 = arith.constant 0 : i32
    %c0_i32_1 = arith.constant 0 : i32
    return %c0_i32, %c0_i32_0 : i32, i32
  }
  func.func @transform_5(%arg0: i32) -> (i32, i32) {
    %c0_i32 = arith.constant 0 : i32
    %c0_i32_0 = arith.constant 0 : i32
    %c0_i32_1 = arith.constant 0 : i32
    return %c0_i32, %c0_i32_0 : i32, i32
  }
  func.func @transform_6(%arg0: i32) -> (i32, i32, i32) {
    %c0_i32 = arith.constant 0 : i32
    %c0_i32_0 = arith.constant 0 : i32
    %c0_i32_1 = arith.constant 0 : i32
    return %arg0, %c0_i32, %c0_i32_0 : i32, i32, i32
  }
  func.func @transform_7(%arg0: i32) -> (i32, i32, i32) {
    %c0_i32 = arith.constant 0 : i32
    %c0_i32_0 = arith.constant 0 : i32
    %c0_i32_1 = arith.constant 0 : i32
    return %arg0, %c0_i32, %c0_i32_0 : i32, i32, i32
  }
  func.func @transform_8(%arg0: i32) -> (i32, i32, i32) {
    %c0_i32 = arith.constant 0 : i32
    %c0_i32_0 = arith.constant 0 : i32
    %c0_i32_1 = arith.constant 0 : i32
    return %arg0, %c0_i32, %c0_i32_0 : i32, i32, i32
  }
  func.func @transform_9(%arg0: i32) -> (i32, i32, i32) {
    %c0_i32 = arith.constant 0 : i32
    %c0_i32_0 = arith.constant 0 : i32
    %c0_i32_1 = arith.constant 0 : i32
    return %arg0, %c0_i32, %c0_i32_0 : i32, i32, i32
  }
  func.func @transform_10(%arg0: i32) -> (i32, i32, i32) {
    %c0_i32 = arith.constant 0 : i32
    %c0_i32_0 = arith.constant 0 : i32
    %c0_i32_1 = arith.constant 0 : i32
    return %arg0, %c0_i32, %c0_i32_0 : i32, i32, i32
  }
  func.func @transform_11(%arg0: i32) -> (i32, i32, i32) {
    %c0_i32 = arith.constant 0 : i32
    %c0_i32_0 = arith.constant 0 : i32
    %c0_i32_1 = arith.constant 0 : i32
    return %arg0, %c0_i32, %c0_i32_0 : i32, i32, i32
  }
  func.func @transform_12(%arg0: i32) -> (i32, i32, i32) {
    %c0_i32 = arith.constant 0 : i32
    %c0_i32_0 = arith.constant 0 : i32
    %c0_i32_1 = arith.constant 0 : i32
    return %arg0, %c0_i32, %c0_i32_0 : i32, i32, i32
  }
  func.func @transform_13(%arg0: i32) -> (i32, i32, i32) {
    %c0_i32 = arith.constant 0 : i32
    %c0_i32_0 = arith.constant 0 : i32
    %c0_i32_1 = arith.constant 0 : i32
    return %arg0, %c0_i32, %c0_i32_0 : i32, i32, i32
  }
  func.func @transform_14(%arg0: i32) -> (i32, i32, i32) {
    %c0_i32 = arith.constant 0 : i32
    %c0_i32_0 = arith.constant 0 : i32
    %c0_i32_1 = arith.constant 0 : i32
    return %arg0, %c0_i32, %c0_i32_0 : i32, i32, i32
  }
}

module attributes {stable_mosaic.version = 14 : i64} {
  func.func @_main_body(%arg0: i32, %arg1: i32, %arg2: memref<1024x1024xf32, #tpu.memory_space<vmem>>, %arg3: memref<1024x1024xf32, #tpu.memory_space<vmem>>, %arg4: memref<1x1x1024xf32, #tpu.memory_space<vmem>>, %arg5: memref<1x1x1024xf32, #tpu.memory_space<vmem>>, %arg6: memref<1x1x1024xf32, #tpu.memory_space<vmem>>, %arg7: memref<1x1x1024xf32, #tpu.memory_space<vmem>>, %arg8: memref<1x1x1024xi32, #tpu.memory_space<vmem>>, %arg9: memref<1x1x1024xi32, #tpu.memory_space<vmem>>, %arg10: memref<1x1x1024xi32, #tpu.memory_space<vmem>>, %arg11: memref<1x1x1024xi32, #tpu.memory_space<vmem>>, %arg12: memref<1x1xf32, #tpu.memory_space<smem>>, %arg13: memref<1x1xf32, #tpu.memory_space<smem>>, %arg14: memref<1x1xf32, #tpu.memory_space<smem>>, %arg15: memref<1x1xf32, #tpu.memory_space<smem>>, %arg16: memref<1x1xf32, #tpu.memory_space<smem>>, %arg17: memref<1x1xf32, #tpu.memory_space<smem>>, %arg18: memref<1x1xf32, #tpu.memory_space<smem>>, %arg19: memref<1x1xf32, #tpu.memory_space<smem>>) attributes {dimension_semantics = [#tpu.dimension_semantics<arbitrary>, #tpu.dimension_semantics<arbitrary>], iteration_bounds = array<i64: 4, 4>, scalar_prefetch = 0 : i64, scratch_operands = 0 : i64, tpu.core_type = #tpu.core_type<tc>, window_params = [{transform_indices = @transform_0, window_bounds = array<i64: 1024, 1024>}, {transform_indices = @transform_1, window_bounds = array<i64: 1024, 1024>}, {transform_indices = @transform_2, window_bounds = array<i64: 1, 1, 1024>}, {transform_indices = @transform_3, window_bounds = array<i64: 1, 1, 1024>}, {transform_indices = @transform_4, window_bounds = array<i64: 1, 1, 1024>}, {transform_indices = @transform_5, window_bounds = array<i64: 1, 1, 1024>}, {transform_indices = @transform_6, window_bounds = array<i64: 1, 1, 1024>}, {transform_indices = @transform_7, window_bounds = array<i64: 1, 1, 1024>}, {transform_indices = @transform_8, window_bounds = array<i64: 1, 1, 1024>}, {transform_indices = @transform_9, window_bounds = array<i64: 1, 1, 1024>}, {transform_indices = @transform_10, window_bounds = array<i64: 1, 1>}, {transform_indices = @transform_11, window_bounds = array<i64: 1, 1>}, {transform_indices = @transform_12, window_bounds = array<i64: 1, 1>}, {transform_indices = @transform_13, window_bounds = array<i64: 1, 1>}, {transform_indices = @transform_14, window_bounds = array<i64: 1, 1>}, {transform_indices = @transform_15, window_bounds = array<i64: 1, 1>}, {transform_indices = @transform_16, window_bounds = array<i64: 1, 1>}, {transform_indices = @transform_17, window_bounds = array<i64: 1, 1>}]} {
    %get3A = arith.constant 0 : index
    %get3A_0 = arith.constant 0 : index
    %get3A_1 = vector.load %arg2[%get3A, %get3A_0] : memref<1024x1024xf32, #tpu.memory_space<vmem>>, vector<1024x1024xf32>
    %get3A_2 = arith.constant 0 : index
    %get3A_3 = arith.constant 0 : index
    %get3A_4 = vector.load %arg3[%get3A_2, %get3A_3] : memref<1024x1024xf32, #tpu.memory_space<vmem>>, vector<1024x1024xf32>
    %dot_general3A = arith.constant dense<0.000000e+00> : vector<1024x1024xf32>
    %dot_general3A_5 = tpu.matmul %get3A_1, %get3A_4, %dot_general3A {dimension_numbers = #tpu.dot_dimension_numbers<[1], [1], [0], [0], [0, 0, 1, 0], [], []>, transpose_lhs_hint = false} : vector<1024x1024xf32>, vector<1024x1024xf32>, vector<1024x1024xf32> -> vector<1024x1024xf32>
    %sub3A = arith.constant 8.000000e-01 : f32
    %sub3A_6 = vector.broadcast %sub3A : f32 to vector<1024x1024xf32>
    %sub3A_7 = arith.subf %sub3A_6, %dot_general3A_5 : vector<1024x1024xf32>
    %iota3A = tpu.iota {dimensions = array<i32: 0>} : vector<1024x1024xi32>
    %iota3A_8 = tpu.iota {dimensions = array<i32: 1>} : vector<1024x1024xi32>
    %get3A_9 = arith.constant 0 : index
    %get3A_10 = arith.constant 0 : index
    %get3A_11 = arith.constant 0 : index
    %get3A_12 = vector.load %arg4[%get3A_9, %get3A_10, %get3A_11] : memref<1x1x1024xf32, #tpu.memory_space<vmem>>, vector<1x1x1024xf32>
    %get3A_13 = vector.shape_cast %get3A_12 : vector<1x1x1024xf32> to vector<1024xf32>
    %broadcast_in_dim3A = vector.shape_cast %get3A_13 : vector<1024xf32> to vector<1024x1xf32>
    %sub3A_14 = vector.broadcast %broadcast_in_dim3A : vector<1024x1xf32> to vector<1024x1024xf32>
    %sub3A_15 = arith.subf %sub3A_14, %sub3A_7 : vector<1024x1024xf32>
    %max3A = arith.constant 0.000000e+00 : f32
    %max3A_16 = vector.broadcast %max3A : f32 to vector<1024x1024xf32>
    %max3A_17 = arith.maximumf %sub3A_15, %max3A_16 : vector<1024x1024xf32>
    %reduce_sum3A = vector.shape_cast %max3A_17 : vector<1024x1024xf32> to vector<1x1024x1024xf32>
    %reduce_sum3A_18 = arith.constant dense<0.000000e+00> : vector<1xf32>
    %reduce_sum3A_19 = vector.multi_reduction <add>, %reduce_sum3A, %reduce_sum3A_18 [1, 2] : vector<1x1024x1024xf32> to vector<1xf32>
    %reduce_sum3A_20 = vector.shape_cast %reduce_sum3A_19 : vector<1xf32> to vector<1x1x1xf32>
    %reduce_sum3A_21 = vector.extract %reduce_sum3A_20[0, 0, 0] : f32 from vector<1x1x1xf32>
    %gt3A = arith.constant 0.000000e+00 : f32
    %gt3A_22 = vector.broadcast %gt3A : f32 to vector<1024x1024xf32>
    %gt3A_23 = arith.cmpf ogt, %max3A_17, %gt3A_22 : vector<1024x1024xf32>
    %jit3A = arith.constant 1.000000e+00 : f32
    %jit3A_24 = arith.constant 0.000000e+00 : f32
    %broadcast_in_dim3A_25 = vector.broadcast %jit3A : f32 to vector<1024x1024xf32>
    %broadcast_in_dim3A_26 = vector.broadcast %jit3A_24 : f32 to vector<1024x1024xf32>
    %select_n3A = arith.select %gt3A_23, %broadcast_in_dim3A_25, %broadcast_in_dim3A_26 : vector<1024x1024xi1>, vector<1024x1024xf32>
    %reduce_sum3A_27 = vector.shape_cast %select_n3A : vector<1024x1024xf32> to vector<1x1024x1024xf32>
    %reduce_sum3A_28 = arith.constant dense<0.000000e+00> : vector<1xf32>
    %reduce_sum3A_29 = vector.multi_reduction <add>, %reduce_sum3A_27, %reduce_sum3A_28 [1, 2] : vector<1x1024x1024xf32> to vector<1xf32>
    %reduce_sum3A_30 = vector.shape_cast %reduce_sum3A_29 : vector<1xf32> to vector<1x1x1xf32>
    %reduce_sum3A_31 = vector.extract %reduce_sum3A_30[0, 0, 0] : f32 from vector<1x1x1xf32>
    %get3A_32 = arith.constant 0 : index
    %get3A_33 = arith.constant 0 : index
    %get3A_34 = arith.constant 0 : index
    %get3A_35 = vector.load %arg5[%get3A_32, %get3A_33, %get3A_34] : memref<1x1x1024xf32, #tpu.memory_space<vmem>>, vector<1x1x1024xf32>
    %get3A_36 = vector.shape_cast %get3A_35 : vector<1x1x1024xf32> to vector<1024xf32>
    %broadcast_in_dim3A_37 = vector.shape_cast %get3A_36 : vector<1024xf32> to vector<1x1024xf32>
    %sub3A_38 = vector.broadcast %broadcast_in_dim3A_37 : vector<1x1024xf32> to vector<1024x1024xf32>
    %sub3A_39 = arith.subf %sub3A_38, %sub3A_7 : vector<1024x1024xf32>
    %max3A_40 = arith.constant 0.000000e+00 : f32
    %max3A_41 = vector.broadcast %max3A_40 : f32 to vector<1024x1024xf32>
    %max3A_42 = arith.maximumf %sub3A_39, %max3A_41 : vector<1024x1024xf32>
    %reduce_sum3A_43 = vector.shape_cast %max3A_42 : vector<1024x1024xf32> to vector<1x1024x1024xf32>
    %reduce_sum3A_44 = arith.constant dense<0.000000e+00> : vector<1xf32>
    %reduce_sum3A_45 = vector.multi_reduction <add>, %reduce_sum3A_43, %reduce_sum3A_44 [1, 2] : vector<1x1024x1024xf32> to vector<1xf32>
    %reduce_sum3A_46 = vector.shape_cast %reduce_sum3A_45 : vector<1xf32> to vector<1x1x1xf32>
    %reduce_sum3A_47 = vector.extract %reduce_sum3A_46[0, 0, 0] : f32 from vector<1x1x1xf32>
    %gt3A_48 = arith.constant 0.000000e+00 : f32
    %gt3A_49 = vector.broadcast %gt3A_48 : f32 to vector<1024x1024xf32>
    %gt3A_50 = arith.cmpf ogt, %max3A_42, %gt3A_49 : vector<1024x1024xf32>
    %jit3A_51 = arith.constant 1.000000e+00 : f32
    %jit3A_52 = arith.constant 0.000000e+00 : f32
    %broadcast_in_dim3A_53 = vector.broadcast %jit3A_51 : f32 to vector<1024x1024xf32>
    %broadcast_in_dim3A_54 = vector.broadcast %jit3A_52 : f32 to vector<1024x1024xf32>
    %select_n3A_55 = arith.select %gt3A_50, %broadcast_in_dim3A_53, %broadcast_in_dim3A_54 : vector<1024x1024xi1>, vector<1024x1024xf32>
    %reduce_sum3A_56 = vector.shape_cast %select_n3A_55 : vector<1024x1024xf32> to vector<1x1024x1024xf32>
    %reduce_sum3A_57 = arith.constant dense<0.000000e+00> : vector<1xf32>
    %reduce_sum3A_58 = vector.multi_reduction <add>, %reduce_sum3A_56, %reduce_sum3A_57 [1, 2] : vector<1x1024x1024xf32> to vector<1xf32>
    %reduce_sum3A_59 = vector.shape_cast %reduce_sum3A_58 : vector<1xf32> to vector<1x1x1xf32>
    %reduce_sum3A_60 = vector.extract %reduce_sum3A_59[0, 0, 0] : f32 from vector<1x1x1xf32>
    %get3A_61 = arith.constant 0 : index
    %get3A_62 = arith.constant 0 : index
    %get3A_63 = arith.constant 0 : index
    %get3A_64 = vector.load %arg11[%get3A_61, %get3A_62, %get3A_63] : memref<1x1x1024xi32, #tpu.memory_space<vmem>>, vector<1x1x1024xi32>
    %get3A_65 = vector.shape_cast %get3A_64 : vector<1x1x1024xi32> to vector<1024xi32>
    %broadcast_in_dim3A_66 = vector.shape_cast %get3A_65 : vector<1024xi32> to vector<1x1024xi32>
    %get3A_67 = arith.constant 0 : index
    %get3A_68 = arith.constant 0 : index
    %get3A_69 = arith.constant 0 : index
    %get3A_70 = vector.load %arg10[%get3A_67, %get3A_68, %get3A_69] : memref<1x1x1024xi32, #tpu.memory_space<vmem>>, vector<1x1x1024xi32>
    %get3A_71 = vector.shape_cast %get3A_70 : vector<1x1x1024xi32> to vector<1024xi32>
    %broadcast_in_dim3A_72 = vector.shape_cast %get3A_71 : vector<1024xi32> to vector<1024x1xi32>
    %ne3A = vector.broadcast %broadcast_in_dim3A_66 : vector<1x1024xi32> to vector<1024x1024xi32>
    %ne3A_73 = vector.broadcast %broadcast_in_dim3A_72 : vector<1024x1xi32> to vector<1024x1024xi32>
    %ne3A_74 = arith.cmpi ne, %ne3A, %ne3A_73 : vector<1024x1024xi32>
    %get3A_75 = arith.constant 0 : index
    %get3A_76 = arith.constant 0 : index
    %get3A_77 = arith.constant 0 : index
    %get3A_78 = vector.load %arg8[%get3A_75, %get3A_76, %get3A_77] : memref<1x1x1024xi32, #tpu.memory_space<vmem>>, vector<1x1x1024xi32>
    %get3A_79 = vector.shape_cast %get3A_78 : vector<1x1x1024xi32> to vector<1024xi32>
    %mul3A = arith.constant 1024 : i32
    %mul3A_80 = arith.muli %arg1, %mul3A : i32
    %sub3A_81 = vector.broadcast %mul3A_80 : i32 to vector<1024xi32>
    %sub3A_82 = arith.subi %get3A_79, %sub3A_81 : vector<1024xi32>
    %get3A_83 = arith.constant 0 : index
    %get3A_84 = arith.constant 0 : index
    %get3A_85 = arith.constant 0 : index
    %get3A_86 = vector.load %arg9[%get3A_83, %get3A_84, %get3A_85] : memref<1x1x1024xi32, #tpu.memory_space<vmem>>, vector<1x1x1024xi32>
    %get3A_87 = vector.shape_cast %get3A_86 : vector<1x1x1024xi32> to vector<1024xi32>
    %mul3A_88 = arith.constant 1024 : i32
    %mul3A_89 = arith.muli %arg0, %mul3A_88 : i32
    %sub3A_90 = vector.broadcast %mul3A_89 : i32 to vector<1024xi32>
    %sub3A_91 = arith.subi %get3A_87, %sub3A_90 : vector<1024xi32>
    %broadcast_in_dim3A_92 = vector.shape_cast %sub3A_82 : vector<1024xi32> to vector<1024x1xi32>
    %lt3A = vector.broadcast %broadcast_in_dim3A_92 : vector<1024x1xi32> to vector<1024x1024xi32>
    %lt3A_93 = arith.cmpi slt, %iota3A_8, %lt3A : vector<1024x1024xi32>
    %and3A = arith.andi %ne3A_74, %lt3A_93 : vector<1024x1024xi1>
    %get3A_94 = arith.constant 0 : index
    %get3A_95 = arith.constant 0 : index
    %get3A_96 = arith.constant 0 : index
    %get3A_97 = vector.load %arg6[%get3A_94, %get3A_95, %get3A_96] : memref<1x1x1024xf32, #tpu.memory_space<vmem>>, vector<1x1x1024xf32>
    %get3A_98 = vector.shape_cast %get3A_97 : vector<1x1x1024xf32> to vector<1024xf32>
    %broadcast_in_dim3A_99 = vector.shape_cast %get3A_98 : vector<1024xf32> to vector<1024x1xf32>
    %sub3A_100 = vector.broadcast %broadcast_in_dim3A_99 : vector<1024x1xf32> to vector<1024x1024xf32>
    %sub3A_101 = arith.subf %sub3A_100, %sub3A_7 : vector<1024x1024xf32>
    %max3A_102 = arith.constant 0.000000e+00 : f32
    %max3A_103 = vector.broadcast %max3A_102 : f32 to vector<1024x1024xf32>
    %max3A_104 = arith.maximumf %sub3A_101, %max3A_103 : vector<1024x1024xf32>
    %jit3A_105 = arith.constant 0.000000e+00 : f32
    %broadcast_in_dim3A_106 = vector.broadcast %jit3A_105 : f32 to vector<1024x1024xf32>
    %select_n3A_107 = arith.select %and3A, %max3A_104, %broadcast_in_dim3A_106 : vector<1024x1024xi1>, vector<1024x1024xf32>
    %reduce_sum3A_108 = vector.shape_cast %select_n3A_107 : vector<1024x1024xf32> to vector<1x1024x1024xf32>
    %reduce_sum3A_109 = arith.constant dense<0.000000e+00> : vector<1xf32>
    %reduce_sum3A_110 = vector.multi_reduction <add>, %reduce_sum3A_108, %reduce_sum3A_109 [1, 2] : vector<1x1024x1024xf32> to vector<1xf32>
    %reduce_sum3A_111 = vector.shape_cast %reduce_sum3A_110 : vector<1xf32> to vector<1x1x1xf32>
    %reduce_sum3A_112 = vector.extract %reduce_sum3A_111[0, 0, 0] : f32 from vector<1x1x1xf32>
    %gt3A_113 = arith.constant 0.000000e+00 : f32
    %gt3A_114 = vector.broadcast %gt3A_113 : f32 to vector<1024x1024xf32>
    %gt3A_115 = arith.cmpf ogt, %select_n3A_107, %gt3A_114 : vector<1024x1024xf32>
    %jit3A_116 = arith.constant 1.000000e+00 : f32
    %jit3A_117 = arith.constant 0.000000e+00 : f32
    %broadcast_in_dim3A_118 = vector.broadcast %jit3A_116 : f32 to vector<1024x1024xf32>
    %broadcast_in_dim3A_119 = vector.broadcast %jit3A_117 : f32 to vector<1024x1024xf32>
    %select_n3A_120 = arith.select %gt3A_115, %broadcast_in_dim3A_118, %broadcast_in_dim3A_119 : vector<1024x1024xi1>, vector<1024x1024xf32>
    %reduce_sum3A_121 = vector.shape_cast %select_n3A_120 : vector<1024x1024xf32> to vector<1x1024x1024xf32>
    %reduce_sum3A_122 = arith.constant dense<0.000000e+00> : vector<1xf32>
    %reduce_sum3A_123 = vector.multi_reduction <add>, %reduce_sum3A_121, %reduce_sum3A_122 [1, 2] : vector<1x1024x1024xf32> to vector<1xf32>
    %reduce_sum3A_124 = vector.shape_cast %reduce_sum3A_123 : vector<1xf32> to vector<1x1x1xf32>
    %reduce_sum3A_125 = vector.extract %reduce_sum3A_124[0, 0, 0] : f32 from vector<1x1x1xf32>
    %broadcast_in_dim3A_126 = vector.shape_cast %sub3A_91 : vector<1024xi32> to vector<1x1024xi32>
    %lt3A_127 = vector.broadcast %broadcast_in_dim3A_126 : vector<1x1024xi32> to vector<1024x1024xi32>
    %lt3A_128 = arith.cmpi slt, %iota3A, %lt3A_127 : vector<1024x1024xi32>
    %and3A_129 = arith.andi %ne3A_74, %lt3A_128 : vector<1024x1024xi1>
    %get3A_130 = arith.constant 0 : index
    %get3A_131 = arith.constant 0 : index
    %get3A_132 = arith.constant 0 : index
    %get3A_133 = vector.load %arg7[%get3A_130, %get3A_131, %get3A_132] : memref<1x1x1024xf32, #tpu.memory_space<vmem>>, vector<1x1x1024xf32>
    %get3A_134 = vector.shape_cast %get3A_133 : vector<1x1x1024xf32> to vector<1024xf32>
    %broadcast_in_dim3A_135 = vector.shape_cast %get3A_134 : vector<1024xf32> to vector<1x1024xf32>
    %sub3A_136 = vector.broadcast %broadcast_in_dim3A_135 : vector<1x1024xf32> to vector<1024x1024xf32>
    %sub3A_137 = arith.subf %sub3A_136, %sub3A_7 : vector<1024x1024xf32>
    %max3A_138 = arith.constant 0.000000e+00 : f32
    %max3A_139 = vector.broadcast %max3A_138 : f32 to vector<1024x1024xf32>
    %max3A_140 = arith.maximumf %sub3A_137, %max3A_139 : vector<1024x1024xf32>
    %jit3A_141 = arith.constant 0.000000e+00 : f32
    %broadcast_in_dim3A_142 = vector.broadcast %jit3A_141 : f32 to vector<1024x1024xf32>
    %select_n3A_143 = arith.select %and3A_129, %max3A_140, %broadcast_in_dim3A_142 : vector<1024x1024xi1>, vector<1024x1024xf32>
    %reduce_sum3A_144 = vector.shape_cast %select_n3A_143 : vector<1024x1024xf32> to vector<1x1024x1024xf32>
    %reduce_sum3A_145 = arith.constant dense<0.000000e+00> : vector<1xf32>
    %reduce_sum3A_146 = vector.multi_reduction <add>, %reduce_sum3A_144, %reduce_sum3A_145 [1, 2] : vector<1x1024x1024xf32> to vector<1xf32>
    %reduce_sum3A_147 = vector.shape_cast %reduce_sum3A_146 : vector<1xf32> to vector<1x1x1xf32>
    %reduce_sum3A_148 = vector.extract %reduce_sum3A_147[0, 0, 0] : f32 from vector<1x1x1xf32>
    %gt3A_149 = arith.constant 0.000000e+00 : f32
    %gt3A_150 = vector.broadcast %gt3A_149 : f32 to vector<1024x1024xf32>
    %gt3A_151 = arith.cmpf ogt, %select_n3A_143, %gt3A_150 : vector<1024x1024xf32>
    %jit3A_152 = arith.constant 1.000000e+00 : f32
    %jit3A_153 = arith.constant 0.000000e+00 : f32
    %broadcast_in_dim3A_154 = vector.broadcast %jit3A_152 : f32 to vector<1024x1024xf32>
    %broadcast_in_dim3A_155 = vector.broadcast %jit3A_153 : f32 to vector<1024x1024xf32>
    %select_n3A_156 = arith.select %gt3A_151, %broadcast_in_dim3A_154, %broadcast_in_dim3A_155 : vector<1024x1024xi1>, vector<1024x1024xf32>
    %reduce_sum3A_157 = vector.shape_cast %select_n3A_156 : vector<1024x1024xf32> to vector<1x1024x1024xf32>
    %reduce_sum3A_158 = arith.constant dense<0.000000e+00> : vector<1xf32>
    %reduce_sum3A_159 = vector.multi_reduction <add>, %reduce_sum3A_157, %reduce_sum3A_158 [1, 2] : vector<1x1024x1024xf32> to vector<1xf32>
    %reduce_sum3A_160 = vector.shape_cast %reduce_sum3A_159 : vector<1xf32> to vector<1x1x1xf32>
    %reduce_sum3A_161 = vector.extract %reduce_sum3A_160[0, 0, 0] : f32 from vector<1x1x1xf32>
    %eq3A = arith.constant 0 : i32
    %eq3A_162 = arith.cmpi eq, %arg0, %eq3A : i32
    %eq3A_163 = arith.constant 0 : i32
    %eq3A_164 = arith.cmpi eq, %arg1, %eq3A_163 : i32
    %and3A_165 = arith.andi %eq3A_162, %eq3A_164 : i1
    %convert_element_type3A = arith.extui %and3A_165 : i1 to i32
    %cond3A = arith.constant 0 : i32
    %cond3A_166 = arith.cmpi ne, %convert_element_type3A, %cond3A : i32
    scf.if %cond3A_166 {
      %swap3A_242 = arith.constant 0.000000e+00 : f32
      %swap3A_243 = arith.constant 0 : index
      %swap3A_244 = arith.constant 0 : index
      %swap3A_245 = memref.load %arg12[%swap3A_243, %swap3A_244] : memref<1x1xf32, #tpu.memory_space<smem>>
      memref.store %swap3A_242, %arg12[%swap3A_243, %swap3A_244] : memref<1x1xf32, #tpu.memory_space<smem>>
    } else {
    }
    %get3A_167 = arith.constant 0 : index
    %get3A_168 = arith.constant 0 : index
    %get3A_169 = memref.load %arg12[%get3A_167, %get3A_168] : memref<1x1xf32, #tpu.memory_space<smem>>
    %add3A = arith.addf %get3A_169, %reduce_sum3A_21 : f32
    %swap3A = arith.constant 0 : index
    %swap3A_170 = arith.constant 0 : index
    %swap3A_171 = memref.load %arg12[%swap3A, %swap3A_170] : memref<1x1xf32, #tpu.memory_space<smem>>
    memref.store %add3A, %arg12[%swap3A, %swap3A_170] : memref<1x1xf32, #tpu.memory_space<smem>>
    %convert_element_type3A_172 = arith.extui %and3A_165 : i1 to i32
    %cond3A_173 = arith.constant 0 : i32
    %cond3A_174 = arith.cmpi ne, %convert_element_type3A_172, %cond3A_173 : i32
    scf.if %cond3A_174 {
      %swap3A_242 = arith.constant 0.000000e+00 : f32
      %swap3A_243 = arith.constant 0 : index
      %swap3A_244 = arith.constant 0 : index
      %swap3A_245 = memref.load %arg13[%swap3A_243, %swap3A_244] : memref<1x1xf32, #tpu.memory_space<smem>>
      memref.store %swap3A_242, %arg13[%swap3A_243, %swap3A_244] : memref<1x1xf32, #tpu.memory_space<smem>>
    } else {
    }
    %get3A_175 = arith.constant 0 : index
    %get3A_176 = arith.constant 0 : index
    %get3A_177 = memref.load %arg13[%get3A_175, %get3A_176] : memref<1x1xf32, #tpu.memory_space<smem>>
    %add3A_178 = arith.addf %get3A_177, %reduce_sum3A_31 : f32
    %swap3A_179 = arith.constant 0 : index
    %swap3A_180 = arith.constant 0 : index
    %swap3A_181 = memref.load %arg13[%swap3A_179, %swap3A_180] : memref<1x1xf32, #tpu.memory_space<smem>>
    memref.store %add3A_178, %arg13[%swap3A_179, %swap3A_180] : memref<1x1xf32, #tpu.memory_space<smem>>
    %convert_element_type3A_182 = arith.extui %and3A_165 : i1 to i32
    %cond3A_183 = arith.constant 0 : i32
    %cond3A_184 = arith.cmpi ne, %convert_element_type3A_182, %cond3A_183 : i32
    scf.if %cond3A_184 {
      %swap3A_242 = arith.constant 0.000000e+00 : f32
      %swap3A_243 = arith.constant 0 : index
      %swap3A_244 = arith.constant 0 : index
      %swap3A_245 = memref.load %arg14[%swap3A_243, %swap3A_244] : memref<1x1xf32, #tpu.memory_space<smem>>
      memref.store %swap3A_242, %arg14[%swap3A_243, %swap3A_244] : memref<1x1xf32, #tpu.memory_space<smem>>
    } else {
    }
    %get3A_185 = arith.constant 0 : index
    %get3A_186 = arith.constant 0 : index
    %get3A_187 = memref.load %arg14[%get3A_185, %get3A_186] : memref<1x1xf32, #tpu.memory_space<smem>>
    %add3A_188 = arith.addf %get3A_187, %reduce_sum3A_47 : f32
    %swap3A_189 = arith.constant 0 : index
    %swap3A_190 = arith.constant 0 : index
    %swap3A_191 = memref.load %arg14[%swap3A_189, %swap3A_190] : memref<1x1xf32, #tpu.memory_space<smem>>
    memref.store %add3A_188, %arg14[%swap3A_189, %swap3A_190] : memref<1x1xf32, #tpu.memory_space<smem>>
    %convert_element_type3A_192 = arith.extui %and3A_165 : i1 to i32
    %cond3A_193 = arith.constant 0 : i32
    %cond3A_194 = arith.cmpi ne, %convert_element_type3A_192, %cond3A_193 : i32
    scf.if %cond3A_194 {
      %swap3A_242 = arith.constant 0.000000e+00 : f32
      %swap3A_243 = arith.constant 0 : index
      %swap3A_244 = arith.constant 0 : index
      %swap3A_245 = memref.load %arg15[%swap3A_243, %swap3A_244] : memref<1x1xf32, #tpu.memory_space<smem>>
      memref.store %swap3A_242, %arg15[%swap3A_243, %swap3A_244] : memref<1x1xf32, #tpu.memory_space<smem>>
    } else {
    }
    %get3A_195 = arith.constant 0 : index
    %get3A_196 = arith.constant 0 : index
    %get3A_197 = memref.load %arg15[%get3A_195, %get3A_196] : memref<1x1xf32, #tpu.memory_space<smem>>
    %add3A_198 = arith.addf %get3A_197, %reduce_sum3A_60 : f32
    %swap3A_199 = arith.constant 0 : index
    %swap3A_200 = arith.constant 0 : index
    %swap3A_201 = memref.load %arg15[%swap3A_199, %swap3A_200] : memref<1x1xf32, #tpu.memory_space<smem>>
    memref.store %add3A_198, %arg15[%swap3A_199, %swap3A_200] : memref<1x1xf32, #tpu.memory_space<smem>>
    %convert_element_type3A_202 = arith.extui %and3A_165 : i1 to i32
    %cond3A_203 = arith.constant 0 : i32
    %cond3A_204 = arith.cmpi ne, %convert_element_type3A_202, %cond3A_203 : i32
    scf.if %cond3A_204 {
      %swap3A_242 = arith.constant 0.000000e+00 : f32
      %swap3A_243 = arith.constant 0 : index
      %swap3A_244 = arith.constant 0 : index
      %swap3A_245 = memref.load %arg16[%swap3A_243, %swap3A_244] : memref<1x1xf32, #tpu.memory_space<smem>>
      memref.store %swap3A_242, %arg16[%swap3A_243, %swap3A_244] : memref<1x1xf32, #tpu.memory_space<smem>>
    } else {
    }
    %get3A_205 = arith.constant 0 : index
    %get3A_206 = arith.constant 0 : index
    %get3A_207 = memref.load %arg16[%get3A_205, %get3A_206] : memref<1x1xf32, #tpu.memory_space<smem>>
    %add3A_208 = arith.addf %get3A_207, %reduce_sum3A_112 : f32
    %swap3A_209 = arith.constant 0 : index
    %swap3A_210 = arith.constant 0 : index
    %swap3A_211 = memref.load %arg16[%swap3A_209, %swap3A_210] : memref<1x1xf32, #tpu.memory_space<smem>>
    memref.store %add3A_208, %arg16[%swap3A_209, %swap3A_210] : memref<1x1xf32, #tpu.memory_space<smem>>
    %convert_element_type3A_212 = arith.extui %and3A_165 : i1 to i32
    %cond3A_213 = arith.constant 0 : i32
    %cond3A_214 = arith.cmpi ne, %convert_element_type3A_212, %cond3A_213 : i32
    scf.if %cond3A_214 {
      %swap3A_242 = arith.constant 0.000000e+00 : f32
      %swap3A_243 = arith.constant 0 : index
      %swap3A_244 = arith.constant 0 : index
      %swap3A_245 = memref.load %arg17[%swap3A_243, %swap3A_244] : memref<1x1xf32, #tpu.memory_space<smem>>
      memref.store %swap3A_242, %arg17[%swap3A_243, %swap3A_244] : memref<1x1xf32, #tpu.memory_space<smem>>
    } else {
    }
    %get3A_215 = arith.constant 0 : index
    %get3A_216 = arith.constant 0 : index
    %get3A_217 = memref.load %arg17[%get3A_215, %get3A_216] : memref<1x1xf32, #tpu.memory_space<smem>>
    %add3A_218 = arith.addf %get3A_217, %reduce_sum3A_125 : f32
    %swap3A_219 = arith.constant 0 : index
    %swap3A_220 = arith.constant 0 : index
    %swap3A_221 = memref.load %arg17[%swap3A_219, %swap3A_220] : memref<1x1xf32, #tpu.memory_space<smem>>
    memref.store %add3A_218, %arg17[%swap3A_219, %swap3A_220] : memref<1x1xf32, #tpu.memory_space<smem>>
    %convert_element_type3A_222 = arith.extui %and3A_165 : i1 to i32
    %cond3A_223 = arith.constant 0 : i32
    %cond3A_224 = arith.cmpi ne, %convert_element_type3A_222, %cond3A_223 : i32
    scf.if %cond3A_224 {
      %swap3A_242 = arith.constant 0.000000e+00 : f32
      %swap3A_243 = arith.constant 0 : index
      %swap3A_244 = arith.constant 0 : index
      %swap3A_245 = memref.load %arg18[%swap3A_243, %swap3A_244] : memref<1x1xf32, #tpu.memory_space<smem>>
      memref.store %swap3A_242, %arg18[%swap3A_243, %swap3A_244] : memref<1x1xf32, #tpu.memory_space<smem>>
    } else {
    }
    %get3A_225 = arith.constant 0 : index
    %get3A_226 = arith.constant 0 : index
    %get3A_227 = memref.load %arg18[%get3A_225, %get3A_226] : memref<1x1xf32, #tpu.memory_space<smem>>
    %add3A_228 = arith.addf %get3A_227, %reduce_sum3A_148 : f32
    %swap3A_229 = arith.constant 0 : index
    %swap3A_230 = arith.constant 0 : index
    %swap3A_231 = memref.load %arg18[%swap3A_229, %swap3A_230] : memref<1x1xf32, #tpu.memory_space<smem>>
    memref.store %add3A_228, %arg18[%swap3A_229, %swap3A_230] : memref<1x1xf32, #tpu.memory_space<smem>>
    %convert_element_type3A_232 = arith.extui %and3A_165 : i1 to i32
    %cond3A_233 = arith.constant 0 : i32
    %cond3A_234 = arith.cmpi ne, %convert_element_type3A_232, %cond3A_233 : i32
    scf.if %cond3A_234 {
      %swap3A_242 = arith.constant 0.000000e+00 : f32
      %swap3A_243 = arith.constant 0 : index
      %swap3A_244 = arith.constant 0 : index
      %swap3A_245 = memref.load %arg19[%swap3A_243, %swap3A_244] : memref<1x1xf32, #tpu.memory_space<smem>>
      memref.store %swap3A_242, %arg19[%swap3A_243, %swap3A_244] : memref<1x1xf32, #tpu.memory_space<smem>>
    } else {
    }
    %get3A_235 = arith.constant 0 : index
    %get3A_236 = arith.constant 0 : index
    %get3A_237 = memref.load %arg19[%get3A_235, %get3A_236] : memref<1x1xf32, #tpu.memory_space<smem>>
    %add3A_238 = arith.addf %get3A_237, %reduce_sum3A_161 : f32
    %swap3A_239 = arith.constant 0 : index
    %swap3A_240 = arith.constant 0 : index
    %swap3A_241 = memref.load %arg19[%swap3A_239, %swap3A_240] : memref<1x1xf32, #tpu.memory_space<smem>>
    memref.store %add3A_238, %arg19[%swap3A_239, %swap3A_240] : memref<1x1xf32, #tpu.memory_space<smem>>
    return
  }
  func.func @transform_0(%arg0: i32, %arg1: i32) -> (i32, i32) {
    %c0_i32 = arith.constant 0 : i32
    %c0_i32_0 = arith.constant 0 : i32
    return %arg0, %c0_i32 : i32, i32
  }
  func.func @transform_1(%arg0: i32, %arg1: i32) -> (i32, i32) {
    %c0_i32 = arith.constant 0 : i32
    %c0_i32_0 = arith.constant 0 : i32
    return %arg1, %c0_i32 : i32, i32
  }
  func.func @transform_2(%arg0: i32, %arg1: i32) -> (i32, i32, i32) {
    %c0_i32 = arith.constant 0 : i32
    %c0_i32_0 = arith.constant 0 : i32
    %c0_i32_1 = arith.constant 0 : i32
    return %arg0, %c0_i32, %c0_i32_0 : i32, i32, i32
  }
  func.func @transform_3(%arg0: i32, %arg1: i32) -> (i32, i32, i32) {
    %c0_i32 = arith.constant 0 : i32
    %c0_i32_0 = arith.constant 0 : i32
    %c0_i32_1 = arith.constant 0 : i32
    return %arg1, %c0_i32, %c0_i32_0 : i32, i32, i32
  }
  func.func @transform_4(%arg0: i32, %arg1: i32) -> (i32, i32, i32) {
    %c0_i32 = arith.constant 0 : i32
    %c0_i32_0 = arith.constant 0 : i32
    %c0_i32_1 = arith.constant 0 : i32
    return %arg0, %c0_i32, %c0_i32_0 : i32, i32, i32
  }
  func.func @transform_5(%arg0: i32, %arg1: i32) -> (i32, i32, i32) {
    %c0_i32 = arith.constant 0 : i32
    %c0_i32_0 = arith.constant 0 : i32
    %c0_i32_1 = arith.constant 0 : i32
    return %arg1, %c0_i32, %c0_i32_0 : i32, i32, i32
  }
  func.func @transform_6(%arg0: i32, %arg1: i32) -> (i32, i32, i32) {
    %c0_i32 = arith.constant 0 : i32
    %c0_i32_0 = arith.constant 0 : i32
    %c0_i32_1 = arith.constant 0 : i32
    return %arg0, %c0_i32, %c0_i32_0 : i32, i32, i32
  }
  func.func @transform_7(%arg0: i32, %arg1: i32) -> (i32, i32, i32) {
    %c0_i32 = arith.constant 0 : i32
    %c0_i32_0 = arith.constant 0 : i32
    %c0_i32_1 = arith.constant 0 : i32
    return %arg1, %c0_i32, %c0_i32_0 : i32, i32, i32
  }
  func.func @transform_8(%arg0: i32, %arg1: i32) -> (i32, i32, i32) {
    %c0_i32 = arith.constant 0 : i32
    %c0_i32_0 = arith.constant 0 : i32
    %c0_i32_1 = arith.constant 0 : i32
    return %arg0, %c0_i32, %c0_i32_0 : i32, i32, i32
  }
  func.func @transform_9(%arg0: i32, %arg1: i32) -> (i32, i32, i32) {
    %c0_i32 = arith.constant 0 : i32
    %c0_i32_0 = arith.constant 0 : i32
    %c0_i32_1 = arith.constant 0 : i32
    return %arg1, %c0_i32, %c0_i32_0 : i32, i32, i32
  }
  func.func @transform_10(%arg0: i32, %arg1: i32) -> (i32, i32) {
    %c0_i32 = arith.constant 0 : i32
    %c0_i32_0 = arith.constant 0 : i32
    %c0_i32_1 = arith.constant 0 : i32
    return %c0_i32, %c0_i32_0 : i32, i32
  }
  func.func @transform_11(%arg0: i32, %arg1: i32) -> (i32, i32) {
    %c0_i32 = arith.constant 0 : i32
    %c0_i32_0 = arith.constant 0 : i32
    %c0_i32_1 = arith.constant 0 : i32
    return %c0_i32, %c0_i32_0 : i32, i32
  }
  func.func @transform_12(%arg0: i32, %arg1: i32) -> (i32, i32) {
    %c0_i32 = arith.constant 0 : i32
    %c0_i32_0 = arith.constant 0 : i32
    %c0_i32_1 = arith.constant 0 : i32
    return %c0_i32, %c0_i32_0 : i32, i32
  }
  func.func @transform_13(%arg0: i32, %arg1: i32) -> (i32, i32) {
    %c0_i32 = arith.constant 0 : i32
    %c0_i32_0 = arith.constant 0 : i32
    %c0_i32_1 = arith.constant 0 : i32
    return %c0_i32, %c0_i32_0 : i32, i32
  }
  func.func @transform_14(%arg0: i32, %arg1: i32) -> (i32, i32) {
    %c0_i32 = arith.constant 0 : i32
    %c0_i32_0 = arith.constant 0 : i32
    %c0_i32_1 = arith.constant 0 : i32
    return %c0_i32, %c0_i32_0 : i32, i32
  }
  func.func @transform_15(%arg0: i32, %arg1: i32) -> (i32, i32) {
    %c0_i32 = arith.constant 0 : i32
    %c0_i32_0 = arith.constant 0 : i32
    %c0_i32_1 = arith.constant 0 : i32
    return %c0_i32, %c0_i32_0 : i32, i32
  }
  func.func @transform_16(%arg0: i32, %arg1: i32) -> (i32, i32) {
    %c0_i32 = arith.constant 0 : i32
    %c0_i32_0 = arith.constant 0 : i32
    %c0_i32_1 = arith.constant 0 : i32
    return %c0_i32, %c0_i32_0 : i32, i32
  }
  func.func @transform_17(%arg0: i32, %arg1: i32) -> (i32, i32) {
    %c0_i32 = arith.constant 0 : i32
    %c0_i32_0 = arith.constant 0 : i32
    %c0_i32_1 = arith.constant 0 : i32
    return %c0_i32, %c0_i32_0 : i32, i32
  }
}

</mosaic_0001>

<sc_bundles>
// kernel: kernel.7.cloned.1.call-start
scs
__scs_entry_jumppad:
0x0: {  	(pc) =	sbr.rel $0x88, $3  }
0x1: {  	(tag) =	ssettag $0x0;
	lr =	simm.s32 $0x1  }
0x2: {  	[smem:$0x3F9D] =	sst lr;
	_ =	strace $0xD0000000  }
0x3: {  	_ = 	snop  }
0x4: {  	_ = 	snop  }
0x5: {  	_ = 	snop  }
0x6: {  	_ = 	snop  }
0x7: {  	_ = 	snop  }
__scs_overlays_trampoline_lowered:
0x8: {  	[smem:$0x3FAC] =	sst s0  }
0x9: {  	[smem:$0x3FAD] =	sst s1  }
0xa: {  	[smem:$0x3FAE] =	sst s2  }
0xb: {  	[smem:$0x3FAF] =	sst s3  }
0xc: {  	[smem:$0x3FB0] =	sst s4  }
0xd: {  	[smem:$0x3FB1] =	sst s5  }
0xe: {  	[smem:$0x3FB2] =	sst s6  }
0xf: {  	[smem:$0x3FB3] =	sst s7  }
0x10: {  	[smem:$0x3FB4] =	sst s8  }
0x11: {  	[smem:$0x3FB5] =	sst s9;
	s0 =	simm.s32 @!p0 $0x0  }
0x12: {  	s1 =	sld [smem:$0x3F9B];
	s0 =	simm.s32 @p0 $0x1  }
0x13: {  	[smem:$0x3FB6] =	sst s0;
	s0 =	simm.s32 @!p1 $0x0  }
0x14: {  	s2 =	sld [smem:$0x3F9A];
	s0 =	simm.s32 @p1 $0x1  }
0x15: {  	[smem:$0x3FB7] =	sst s0;
	s0 =	simm.s32 @!p2 $0x0  }
0x16: {  	s3 =	sld [smem:$0x3FDB];
	s0 =	simm.s32 @p2 $0x1  }
0x17: {  	s4 =	simm.s32 $0x1BF5;
	[smem:$0x3FB9] =	sst s0  }
0x18: {  	s0 =	sld [smem:$0x3F9C];
	_ =	swait.ge [sflag:s4], $0x0  }
0x19: {  	s7 =	sld [smem:$0x3F9D]  }
0x1a: {  	s8 =	sadd.s32 $0xFFFFE003, lr  }
0x1b: {  	s9 =	sadd.s32 $0xFFFFFEF7, lr;
	s5 =	simm.s32 $0xFFFFFFFF;
	p2 =	slt.u32 s8, $0xFFFFF086  }
0x1c: {  	p1 =	slt.u32 s9, $0xF7A;
	s5 =	simm.s32 @!p2 $0x0  }
0x1d: {  	s5 =	simm.s32 @p1 $0x1;
	p0 =	seq.s32 s7, s2  }
0x1e: {  	s7 =	smul.u32 @!p0 $0xF7A, s2;
	p2 =	seq.s32 @!p0 s5, $0x0  }
0x1f: {  	s9 =	smul.u32 $0xF7A, s1;
	s8 =	simm.s32 @!p0 $0x1BF5;
	p2 =	por !p2, p0  }
0x20: {  	[sflag:s8] =	ssyncset.s32 @!p0 $0xFFFFF086;
	s6 =	sadd.s32 @!p0 s3, s7;
	s7 =	simm.s32 @!p0 $0x108  }
0x21: {  	s3 =	sadd.s32 s3, s9;
	s6 =	sadd.s32 @!p0 $0x88, s6;
	s7 =	simm.s32 @p2 $0x1082  }
0x22: {  	[simem:s7], [sflag:s8] =	dma.local @!p0 [hbm:s6], $0xF7A  }
0x23: {  	s9 =	sor.u32 $0xD0000000, s2;
	s6 =	simm.s32 $0x108;
	_ =	swait.ge @!p0 [sflag:s8], $0x0  }
0x24: {  	s3 =	sadd.s32 $0x88, s3;
	s6 =	simm.s32 @!p1 $0x1082;
	[sflag:s4] =	ssyncset.s32 $0xFFFFF086  }
0x25: {  	[simem:s6], [sflag:s4] =	dma.local [hbm:s3], $0xF7A  }
0x26: {  	[smem:$0x3F9D] =	sst s1;
	(tag) =	ssettag s2;
	_ =	strace s9  }
0x27: {  	s1 =	sld [smem:$0x3FAD]  }
0x28: {  	s2 =	sld [smem:$0x3FAE]  }
0x29: {  	s4 =	sld [smem:$0x3FB0]  }
0x2a: {  	p0 =	seq.s32 s5, $0x0;
	s5 =	sld [smem:$0x3FB1]  }
0x2b: {  	s6 =	sld [smem:$0x3FB2]  }
0x2c: {  	s7 =	sld [smem:$0x3FB3]  }
0x2d: {  	s3 =	simm.s32 $0x108;
	s8 =	sld [smem:$0x3FB4]  }
0x2e: {  	s3 =	simm.s32 @!p0 $0x1082;
	s9 =	sld [smem:$0x3FB5]  }
0x2f: {  	lr =	sadd.s32 s0, s3;
	s0 =	sld [smem:$0x3FAC]  }
0x30: {  	s3 =	sld [smem:$0x3FAF]  }
0x31: {  	[smem:$0x3FB8] =	sst s10  }
0x32: {  	s10 =	sld [smem:$0x3FB6];
	_ =	sdelay $0x3  }
0x33: {  	p0 =	seq.s32 s10, $0x1;
	s10 =	sld [smem:$0x3FB8];
	_ =	sdelay $0x3  }
0x34: {  	[smem:$0x3FB8] =	sst s10  }
0x35: {  	s10 =	sld [smem:$0x3FB7];
	_ =	sdelay $0x3  }
0x36: {  	p1 =	seq.s32 s10, $0x1;
	s10 =	sld [smem:$0x3FB8];
	_ =	sdelay $0x3  }
0x37: {  	[smem:$0x3FB8] =	sst s10  }
0x38: {  	s10 =	sld [smem:$0x3FB9]  }
0x39: {  	_ = 	snop;
	(pc) =	sbr.ind lr, $3  }
0x3a: {  	_ = 	snop  }
0x3b: {  	_ = 	snop  }
0x3c: {  	p2 =	seq.s32 s10, $0x1;
	s10 =	sld [smem:$0x3FB8]  }
0x3d: {  	_ =	shalt  }
0x3e: {  	_ =	shalt  }
0x3f: {  	_ =	shalt  }
0x40: {  	_ =	shalt  }
0x41: {  	_ =	shalt  }
0x42: {  	_ =	shalt  }
0x43: {  	_ =	shalt  }
0x44: {  	_ =	shalt  }
0x45: {  	_ =	shalt  }
0x46: {  	_ =	shalt  }
0x47: {  	_ =	shalt  }
0x48: {  	_ =	shalt  }
0x49: {  	_ =	shalt  }
0x4a: {  	_ =	shalt  }
0x4b: {  	_ =	shalt  }
0x4c: {  	_ =	shalt  }
0x4d: {  	_ =	shalt  }
0x4e: {  	_ =	shalt  }
0x4f: {  	_ =	shalt  }
0x50: {  	_ =	shalt  }
0x51: {  	_ =	shalt  }
0x52: {  	_ =	shalt  }
0x53: {  	_ =	shalt  }
0x54: {  	_ =	shalt  }
0x55: {  	_ =	shalt  }
0x56: {  	_ =	shalt  }
0x57: {  	_ =	shalt  }
0x58: {  	_ =	shalt  }
0x59: {  	_ =	shalt  }
0x5a: {  	_ =	shalt  }
0x5b: {  	_ =	shalt  }
0x5c: {  	_ =	shalt  }
0x5d: {  	_ =	shalt  }
0x5e: {  	_ =	shalt  }
0x5f: {  	_ =	shalt  }
0x60: {  	_ =	shalt  }
0x61: {  	_ =	shalt  }
0x62: {  	_ =	shalt  }
0x63: {  	_ =	shalt  }
0x64: {  	_ =	shalt  }
0x65: {  	_ =	shalt  }
0x66: {  	_ =	shalt  }
0x67: {  	_ =	shalt  }
0x68: {  	_ =	shalt  }
0x69: {  	_ =	shalt  }
0x6a: {  	_ =	shalt  }
0x6b: {  	_ =	shalt  }
0x6c: {  	_ =	shalt  }
0x6d: {  	_ =	shalt  }
0x6e: {  	_ =	shalt  }
0x6f: {  	_ =	shalt  }
0x70: {  	_ =	shalt  }
0x71: {  	_ =	shalt  }
0x72: {  	_ =	shalt  }
0x73: {  	_ =	shalt  }
0x74: {  	_ =	shalt  }
0x75: {  	_ =	shalt  }
0x76: {  	_ =	shalt  }
0x77: {  	_ =	shalt  }
0x78: {  	_ =	shalt  }
0x79: {  	_ =	shalt  }
0x7a: {  	_ =	shalt  }
0x7b: {  	_ =	shalt  }
0x7c: {  	_ =	shalt  }
0x7d: {  	_ =	shalt  }
0x7e: {  	_ =	shalt  }
0x7f: {  	_ =	shalt  }
0x80: {  	_ =	shalt  }
0x81: {  	_ =	shalt  }
0x82: {  	_ =	shalt  }
0x83: {  	_ =	shalt  }
0x84: {  	_ =	shalt  }
0x85: {  	_ =	shalt  }
0x86: {  	_ =	shalt  }
0x87: {  	_ =	shalt  }
.Lfunc_end0:
.L_simem_size_0:
called_computation_lowered:
.L_overlay_start_0:
0x88: {  	s2 =	sld [smem:$0x3FD9]  }
0x89: {  	s3 =	sld [smem:$0x3FFE];
	_ =	sdelay $0x1  }
0x8a: {  	s1 =	srdreg.scid  }
0x8b: {  	s0 =	sand.u32 $0x1, s1  }
0x8c: {  	s17 =	sshll.u32 s0, $0xA;
	s2 =	sadd.s32 s3, s2  }
0x8d: {  	s2 =	sadd.s32 s2, s17  }
0x8e: {  	[smem:$0x3FC4] =	sst s2  }
0x8f: {  	_ = 	snop  }
0x90: {  	s2 =	sld [smem:$0x3FC9]  }
0x91: {  	s18 =	sld [smem:$0x3FC8]  }
0x92: {  	s4 =	sld [smem:$0x3FD0];
	(tm) =	ssettm $0x1  }
0x93: {  	s5 =	sld [smem:$0x3FFB];
	_ =	sdelay $0x3  }
0x94: {  	_ =	strace s5  }
0x95: {  	s5 =	sld [smem:$0x3FFC];
	_ =	sdelay $0x3  }
0x96: {  	_ =	strace s5  }
0x97: {  	s5 =	sld [smem:$0x3FFD];
	_ =	sdelay $0x3  }
0x98: {  	_ =	strace s5  }
0x99: {  	_ =	strace $0x8FFFFFFF  }
0x9a: {  	s19 =	sld [smem:$0x3FDB];
	_ =	sdelay $0x1  }
0x9b: {  	s6 =	simm.s32 $_scs_section_size  }
0x9c: {  	s7 =	simm.s32 $_size__tile_overlayer_lowered;
	s8 =	simm.s32 $_tile_overlayer_lowered  }
0x9d: {  	s22 =	simm.s32 $0x1BFF;
	s21 =	sshll.u32 s8, $0x1;
	s5 =	sadd.s32 s6, s19  }
0x9e: {  	s9 =	simm.s32 $0x0;
	s20 =	sshll.u32 s7, $0x1;
	s7 =	sadd.s32 s21, s5  }
0x9f: {  	[timem:s9], [sflag:s22] =	dma.local [hbm:s7], s20  }
0xa0: {  	_ =	swait.ge [sflag:s22], s20  }
0xa1: {  	s6 =	ssub.s32 $0x0, s20;
	[sflag:s22] =	ssyncset.done $0x0  }
0xa2: {  	[sflag:s22] =	ssyncadd.s32 s6;
	_ =	sdelay $0x1  }
0xa3: {  	s23 =	simm.s32 $0x1B8B  }
0xa4: {  	_ =	swait.ge [sflag:s23], $0x1  }
0xa5: {  	[sflag:s23] =	ssyncset.done $0x0  }
0xa6: {  	s25 =	simm.s32 $0x1B8E;
	s24 =	sld [smem:$0x3FFE];
	[sflag:s23] =	ssyncadd.s32 $0xFFFFFFFF  }
0xa7: {  	s26 =	simm.s32 $execute0_lowered;
	[smem:$0x3FD2] =	sst s25  }
0xa8: {  	s7 =	sshll.u32 s26, $0x1;
	_ =	strace $0x80000046;
	[dreg:$0x1] =	wrdreg $0xFFFFFFFF  }
0xa9: {  	s28 =	simm.s32 $_size_execute0_lowered;
	s5 =	sadd.s32 s5, s7;
	[dreg:$0x0] =	wrdreg $0x0  }
0xaa: {  	s7 =	sshll.u32 s28, $0x1;
	[dreg:$0x2] =	wrdreg s5  }
0xab: {  	[dreg:$0x3] =	wrdreg s7  }
0xac: {  	[dreg:$0x4] =	wrdreg $0xC0  }
0xad: {  	_ =	task [dreg:s9], $0x5FFFF  }
0xae: {  	[dreg:$0x1] =	wrdreg $0xFFFFFFFF  }
0xaf: {  	[dreg:$0x0] =	wrdreg $0x60  }
0xb0: {  	[dreg:$0x2] =	wrdreg s18  }
0xb1: {  	[dreg:$0x3] =	wrdreg s2  }
0xb2: {  	[dreg:$0x4] =	wrdreg s4  }
0xb3: {  	[dreg:$0x5] =	wrdreg s24  }
0xb4: {  	[dreg:$0x6] =	wrdreg $0x9  }
0xb5: {  	_ =	task.clear_ibuf [dreg:s9], $0x7FFFF;
	_ =	strace $0x90000046  }
0xb6: {  	s29 =	simm.s32 $0x9;
	_ =	strace $0x80000048  }
0xb7: {  	_ =	swait.ge [sflag:s29], $0x1  }
0xb8: {  	[sflag:s29] =	ssyncadd.s32 $0xFFFFFFFF  }
0xb9: {  	_ =	strace $0x90000048  }
0xba: {  	_ =	sfence  }
0xbb: {  	s30 =	sld [smem:$0x0];
	_ =	sdelay $0x2  }
0xbc: {  	s31 =	sshll.u32 s1, $0xD;
	s1 =	sshrl.u32 s1, $0x2  }
0xbd: {  	s3 =	sand.u32 $0x4000, s31;
	s1 =	sadd.s32 s1, s30  }
0xbe: {  	s0 =	sor.u32 s3, s0;
	s1 =	sshll.u32 s1, $0x11  }
0xbf: {  	s0 =	sor.u32 s1, s0  }
0xc0: {  	s0 =	sadd.s32 $0x8F2B, s0  }
0xc1: {  	[sflag:s0] =	ssyncadd.remote.s32 $0x1  }
0xc2: {  	_ =	sfence.sel $0xFFFF  }
0xc3: {  	[dreg:$0x0] =	wrdreg $0xFFFFFFFF;
	(pc) =	sbr.abs _section_cstart, $3  }
0xc4: {  	[dreg:$0x1] =	wrdreg $0xFFFFFFFF  }
0xc5: {  	_ =	task.clear_ibuf [dreg:s9], $0x2FFFF;
	_ =	strace $0x9FFFFFFF  }
0xc6: {  	(tm) =	ssettm $0x7FFFFFFF  }
0xc7: {  	_ =	shalt  }
tec
execute0_lowered:
.L_overlay_start_1:
0x0: {  	(tag) =	ssettag $0x1  }
0x1: {  	s1 =	rddreg [dreg:$0x0]  }
0x2: {  	s5 =	rddreg [dreg:$0x1]  }
0x3: {  	s9 =	rddreg [dreg:$0x2]  }
0x4: {  	s4 =	rddreg [dreg:$0x3]  }
0x5: {  	s0 =	rddreg [dreg:$0x4];
	s2 =	simm.s32 $0x0;
	s3 =	stileid.u32  }
0x6: {  	s14 =	srdreg.scid;
	s17 =	simm.s32 $0x3080;
	s18 =	simm.s32 $0x3880  }
0x7: {  	s19 =	simm.s32 $0x1;
	[smem:$0x7FF] =	sst s2;
	s6 =	sadd.s32 $0xC00, s4  }
0x8: {  	s7 =	sadd.s32 $0xE00, s4;
	s8 =	sadd.s32 $0x1000, s4;
	s10 =	sadd.s32 $0x1200, s4  }
0x9: {  	s11 =	sadd.s32 $0x5200, s4;
	s12 =	sadd.s32 $0x9200, s4;
	s13 =	sshrl.u32 s3, $0x2  }
0xa: {  	s4 =	sadd.s32 $0xD200, s4;
	s14 =	sand.u32 $0x1, s14;
	s15 =	sshll.u32 s3, $0x1  }
0xb: {  	_ =	strace $0x80000047;
	p0 =	sgt.s32 s13, $0x1;
	s16 =	ssub.s32 $0x2, s14  }
0xc: {  	s15 =	sand.u32 $0x6, s15;
	p1 =	seq.s32 @p0 s13, $0x2;
	s29 =	sshrl.u32 s16, $0x1  }
0xd: {  	s30 =	sor.u32 s14, s15;
	s1 =	smov.u32 @p0 s5;
	s15 =	simm.s32 $0x2080  }
0xe: {  	p1 =	por !p1, !p0;
	s31 =	sshll.u32 s30, $0xB;
	s14 =	sshll.u32 s30, $0x1  }
0xf: {  	s7 =	smov.u32 @p1 s8;
	s12 =	smov.u32 @p1 s4;
	p1 =	seq.s32 @!p0 s13, $0x0  }
0x10: {  	s4 =	ssub.s32 s16, s29;
	s8 =	sadd.s32 $0x100, s1;
	s13 =	simm.s32 $0x1080  }
0x11: {  	s16 =	simm.s32 $0x2880;
	p1 =	por !p1, p0;
	s4 =	smax.u32 s4, $0x1  }
0x12: {  	s9 =	smov.u32 @p1 s6;
	s10 =	smov.u32 @p1 s11;
	s6 =	sadd.s32 $0x300, s1  }
0x13: {  	v2 =	vlaneseq.u32;
	s11 =	simm.s32 $0x80;
	s9 =	smov.u32 @p0 s7;
	s10 =	smov.u32 @p0 s12  }
0x14: {  	vm0 =	vmmov $0xffff;
	v1 =	vshrl.u32 v2, $0x3;
	s7 =	sadd.s32 $0x200, s1;
	s12 =	simm.s32 $0x880;
	s5 =	sadd.s32 s10, s31  }
0x15: {  	v0 =	vand.u32 $0x7, v2;
	v2 =	vor.u32 $0x8, v2;
	v1 =	vmul.u32 $0x8, v1;
	s9 =	sadd.s32 s9, s14;
	s10 =	simm.s32 $0x2;
	s14 =	simm.s32 $0x1880  }
.LBB2_1:
0x16: {  	[tilespmem:s2], [sflag:$0x2] =	stream.linear.gather [hbm4b:s9+s2], $0x10, $0x38;
	[tilespmem:$0x4080] =	vst v63  }
0x17: {  	_ =	swait.ge [sflag:s10], $0x10  }
0x18: {  	[sflag:s10] =	ssyncset.done $0x0  }
0x19: {  	[sflag:s10] =	ssyncadd.s32 $0xFFFFFFF0  }
0x1a: {  	v3 =	vld [tilespmem:$0x0];
	_ =	sdelay $0x4  }
0x1b: {  	v4 =	vshll.u32 v3, $0x3  }
0x1c: {  	v3 =	vand.u32 $0x7, v3;
	v4 =	vand.u32 $0xFFFFFFC0, v4  }
0x1d: {  	v3 =	vor.u32 v3, v4  }
0x1e: {  	v4 =	vperm.xlane v3, v0;
	_ =	sdelay $0x1  }
0x1f: {  	v4 =	vadd.s32 v1, v4;
	_ =	sdelay $0x4  }
0x20: {  	[tilespmem:s11], [sflag:$0x1] =	stream.indirect_vreg.gather [hbm4b:s1+s2], $0x80, v4, vm0, $0xb8;
	[tilespmem:$0x4080] =	vst v63  }
0x21: {  	v3 =	vperm.xlane v3, v2  }
0x22: {  	[tilespmem:s12], [sflag:$0x1] =	stream.indirect_vreg.gather [hbm4b:s8+s2], $0x80, v4, vm0, $0xb8;
	[tilespmem:$0x4080] =	vst v63  }
0x23: {  	v3 =	vadd.s32 v1, v3  }
0x24: {  	[tilespmem:s13], [sflag:$0x1] =	stream.indirect_vreg.gather [hbm4b:s7+s2], $0x80, v4, vm0, $0xb8;
	[tilespmem:$0x4080] =	vst v63  }
0x25: {  	_ = 	snop  }
0x26: {  	[tilespmem:s14], [sflag:$0x1] =	stream.indirect_vreg.gather [hbm4b:s6+s2], $0x80, v4, vm0, $0xb8;
	[tilespmem:$0x4080] =	vst v63  }
0x27: {  	_ = 	snop  }
0x28: {  	[tilespmem:s15], [sflag:$0x1] =	stream.indirect_vreg.gather [hbm4b:s1+s2], $0x80, v3, vm0, $0xb8;
	[tilespmem:$0x4080] =	vst v63  }
0x29: {  	_ = 	snop  }
0x2a: {  	[tilespmem:s16], [sflag:$0x1] =	stream.indirect_vreg.gather [hbm4b:s8+s2], $0x80, v3, vm0, $0xb8;
	[tilespmem:$0x4080] =	vst v63  }
0x2b: {  	_ = 	snop  }
0x2c: {  	[tilespmem:s17], [sflag:$0x1] =	stream.indirect_vreg.gather [hbm4b:s7+s2], $0x80, v3, vm0, $0xb8;
	[tilespmem:$0x4080] =	vst v63  }
0x2d: {  	_ = 	snop  }
0x2e: {  	[tilespmem:s18], [sflag:$0x1] =	stream.indirect_vreg.gather [hbm4b:s6+s2], $0x80, v3, vm0, $0xb8;
	[tilespmem:$0x4080] =	vst v63  }
0x2f: {  	s4 =	sadd.s32 $0xFFFFFFFF, s4;
	_ =	swait.ge [sflag:s19], $0x4000  }
0x30: {  	p0 =	sne.s32 s4, $0x0;
	[sflag:s19] =	ssyncset.done $0x0  }
.Ltmp0:
0x31: {  	[sflag:s19] =	ssyncadd.s32 $0xFFFFC000;
	(pc) =	sbr.rel @p0 .LBB2_1-.Ltmp0, $4  }
0x32: {  	[hbm4b:s5+s2] =	stream.linear.scatter [tilespmem:s11], [sflag:$0x2], $0x4000, $0x38;
	[tilespmem:$0x4080] =	vst v63  }
0x33: {  	_ =	swait.ge [sflag:s10], $0x4000  }
0x34: {  	[sflag:s10] =	ssyncset.done $0x0  }
0x35: {  	[sflag:s10] =	ssyncadd.s32 $0xFFFFC000  }
0x36: {  	_ =	sfence.sel $0x180000  }
0x37: {  	[bflag:$0x0] =	sbarrier.arrive $0xFFFF  }
0x38: {  	p0 =	sne.s32 s3, $0x0;
	_ =	strace $0x90000047  }
0x39: {  	s0 =	sadd.s32 @!p0 $0x100000, s0;
	[bflag:$0x2] =	sbarrier.arrive $0xFFFF  }
0x3a: {  	[sflag:s0] =	ssyncadd.tile.s32 @!p0 $0x1;
	_ =	shalt  }
.Lfunc_end2:
_tile_overlayer_lowered:
.L_overlay_start_2:
0x3b: {  	(tag) =	ssettag $0x2  }
0x3c: {  	s0 =	rddreg [dreg:$0x0];
	s2 =	stileid.u32  }
0x3d: {  	s1 =	rddreg [dreg:$0x1];
	p0 =	sne.s32 s2, $0x0  }
0x3e: {  	s3 =	rddreg [dreg:$0x2];
	[bflag:$0x3] =	sbarrier.arrive $0xFFFF;
	s2 =	simm.s32 @!p0 $0x1C02  }
0x3f: {  	[timem:s3], [sflag:s2] =	dma.local @!p0 [hbm:s0], s1  }
0x40: {  	s0 =	simm.s32 @!p0 $0x2  }
0x41: {  	_ =	swait.ge @!p0 [sflag:s0], s1  }
0x42: {  	s1 =	ssub.s32 @!p0 $0x0, s1;
	[sflag:s0] =	ssyncset.done @!p0 $0x0  }
0x43: {  	[sflag:s0] =	ssyncadd.s32 @!p0 s1  }
0x44: {  	[bflag:$0x3] =	sbarrier.arrive $0xFFFF  }
0x45: {  	_ =	shalt  }

</sc_bundles>
